<compile_context>
chip_gen: v7x
topology: tpu7x:2x2x1
jax: 0.10.2.dev20260603
libtpu: 0.0.44.dev20260713+nightly
codegen_flags: <defaults>
</compile_context>

<pallas_src>
import jax
import jax.numpy as jnp
from jax import lax
from jax.experimental import pallas as pl
from jax.experimental.pallas import tpu as pltpu
from jax.experimental.pallas import tpu_sc as plsc

_B, _N, _L = 16, 1024, 8
_LANES = 16
_NC, _NS = 2, 16
_GPT = _L // _NC
_CH = 256


def _tc_count_body(vals_ref, labs_ref, cnt_ref):
    vals = vals_ref[0, 0, :]
    labs = labs_ref[0, 0, :]
    counts = []
    for c in range(_N // _CH):
        vi = vals[c * _CH:(c + 1) * _CH][:, None]
        li = labs[c * _CH:(c + 1) * _CH][:, None]
        eq = (vi == vals[None, :]) & (li == labs[None, :])
        counts.append(jnp.sum(eq.astype(jnp.float32), axis=1))
    cnt_ref[0, 0, :] = jnp.concatenate(counts)


def _gather16(x, idx):
    return x.at[idx].get(mode="promise_in_bounds")


def _sc_stats_body(vals_hbm, labs_hbm, cnt_hbm, out_hbm,
                   vals_v, labs_v, cnt_v, out_v):
    c = lax.axis_index("c")
    s = lax.axis_index("s")
    pltpu.sync_copy(vals_hbm.at[s], vals_v)
    pltpu.sync_copy(labs_hbm.at[s], labs_v)
    pltpu.sync_copy(cnt_hbm.at[s], cnt_v)

    iota = lax.broadcasted_iota(jnp.int32, (_LANES,), 0)
    total = jnp.zeros((_LANES,), jnp.float32)

    for k in range(_GPT):
        gf = jnp.full((_LANES,), c * _GPT + k, jnp.int32).astype(jnp.float32)

        def pass1(jv, carry, gf=gf):
            gmx, gsm, gct = carry
            vv = vals_v[pl.ds(jv * _LANES, _LANES)]
            lv = labs_v[pl.ds(jv * _LANES, _LANES)]
            cv = cnt_v[pl.ds(jv * _LANES, _LANES)]
            m = lv == gf
            gmx = jnp.maximum(gmx, jnp.where(m, cv, jnp.float32(-1.0)))
            gsm = gsm + jnp.where(m, vv, jnp.float32(0.0))
            gct = gct + jnp.where(m, jnp.float32(1.0), jnp.float32(0.0))
            return gmx, gsm, gct

        gmx, gsm, gct = lax.fori_loop(
            0, _N // _LANES, pass1,
            (jnp.full((_LANES,), -1.0, jnp.float32),
             jnp.zeros((_LANES,), jnp.float32),
             jnp.zeros((_LANES,), jnp.float32)))
        for d in (1, 2, 4, 8):
            gmx = jnp.maximum(gmx, _gather16(gmx, iota ^ d))
            gsm = gsm + _gather16(gsm, iota ^ d)
            gct = gct + _gather16(gct, iota ^ d)

        def pass2(jv, acc, gf=gf, gmx=gmx):
            vv = vals_v[pl.ds(jv * _LANES, _LANES)]
            lv = labs_v[pl.ds(jv * _LANES, _LANES)]
            cv = cnt_v[pl.ds(jv * _LANES, _LANES)]
            m = (lv == gf) & (cv == gmx)
            return jnp.minimum(acc, jnp.where(m, vv, jnp.float32(jnp.inf)))

        mode = lax.fori_loop(0, _N // _LANES, pass2,
                             jnp.full((_LANES,), jnp.inf, jnp.float32))
        for d in (1, 2, 4, 8):
            mode = jnp.minimum(mode, _gather16(mode, iota ^ d))

        total = total + jnp.where(gct > jnp.float32(0.0),
                                  gsm - gct * mode, jnp.float32(0.0))

    out_v[...] = total
    pltpu.sync_copy(out_v, out_hbm.at[s * _NC + c])


def kernel(inputs, targets):
    cnt = pl.pallas_call(
        _tc_count_body,
        grid=(_B,),
        in_specs=[
            pl.BlockSpec((1, 1, _N), lambda b: (b, 0, 0)),
            pl.BlockSpec((1, 1, _N), lambda b: (b, 0, 0)),
        ],
        out_specs=pl.BlockSpec((1, 1, _N), lambda b: (b, 0, 0)),
        out_shape=jax.ShapeDtypeStruct((_B, 1, _N), jnp.float32),
    )(inputs.reshape(_B, 1, _N), targets.reshape(_B, 1, _N))

    mesh = plsc.VectorSubcoreMesh(
        core_axis_name="c", subcore_axis_name="s",
        num_cores=_NC, num_subcores=_NS)
    partials = pl.kernel(
        _sc_stats_body,
        out_type=jax.ShapeDtypeStruct((_NC * _NS, _LANES), jnp.float32),
        mesh=mesh,
        scratch_types=[
            pltpu.VMEM((_N,), jnp.float32),
            pltpu.VMEM((_N,), jnp.float32),
            pltpu.VMEM((_N,), jnp.float32),
            pltpu.VMEM((_LANES,), jnp.float32),
        ],
    )(inputs, targets, cnt.reshape(_B, _N))
    return jnp.sum(partials[:, 0]) / jnp.float32(_B * _N)

# --- scband reference (transcript-rebuilt; emitter-appended) ---
"""Pipeline reference for scband-arvc-loss-43946105372691 (READ-ONLY COPY).

The authoritative reference and input builder live on the scoring server;
editing this copy changes nothing except your own understanding.
"""

import jax, jax.numpy as jnp
import numpy as np

B = 16
N = 1024
NUM_LABELS = 8

def setup_inputs(seed: int = 0) -> dict:
    key = jax.random.key(seed)
    k1, k2 = jax.random.split(key)
    inputs = jax.random.normal(k1, (B, N), dtype=jnp.float32)
    # targets are class labels stored as float32 (so np.zeros_like(targets) in the
    # original module is float and no integer truncation occurs on assignment)
    targets = jax.random.randint(k2, (B, N), 0, NUM_LABELS).astype(jnp.float32)
    return {"inputs": inputs, "targets": targets}

def _per_batch(vals, labs):
    # vals: [N] float, labs: [N] float labels
    eq_lab = labs[:, None] == labs[None, :]          # same-group mask
    eq_val = vals[:, None] == vals[None, :]          # same-value mask
    # count of vals[i]'s value within its own label group
    count = jnp.sum(eq_lab & eq_val, axis=1)
    # max multiplicity within each element's group
    gmax = jnp.max(jnp.where(eq_lab, count[None, :], -1), axis=1)
    # scipy.stats.mode returns the SMALLEST of the most-frequent values
    cand = eq_lab & (count[None, :] == gmax[:, None])
    mode = jnp.min(jnp.where(cand, vals[None, :], jnp.inf), axis=1)
    gsize = jnp.sum(eq_lab, axis=1)
    gsum = jnp.sum(jnp.where(eq_lab, vals[None, :], 0.0), axis=1)
    # loss_tmp = sum(values - mode) / len(values) = mean(values) - mode,
    # broadcast to every element of the group (matches loss[batch][tagt_indx] = loss_tmp)
    return gsum / gsize - mode

def reference(inputs, targets):
    loss = jax.vmap(_per_batch)(inputs, targets)  # [B, N]
    return jnp.mean(loss)

if __name__ == "__main__":
    import jax
    _d = setup_inputs()
    print(jax.jit(kernel)(*tuple(_d.values())))

</pallas_src>

<mosaic_0001>
#map = affine_map<(d0, d1) -> (0, 0)>
module attributes {stable_mosaic.version = 14 : i64} {
  func.func @_sc_stats_body(%arg0: i32, %arg1: i32, %arg2: memref<16x1024xf32, #tpu.memory_space<hbm>>, %arg3: memref<16x1024xf32, #tpu.memory_space<hbm>>, %arg4: memref<16x1024xf32, #tpu.memory_space<hbm>>, %arg5: memref<32x16xf32, #tpu.memory_space<hbm>>, %arg6: memref<1024xf32, #tpu.memory_space<vmem>>, %arg7: memref<1024xf32, #tpu.memory_space<vmem>>, %arg8: memref<1024xf32, #tpu.memory_space<vmem>>, %arg9: memref<16xf32, #tpu.memory_space<vmem>>) attributes {dimension_semantics = [#tpu.dimension_semantics<core_parallel>, #tpu.dimension_semantics<subcore_parallel>], iteration_bounds = array<i64: 2, 16>, scalar_prefetch = 0 : i64, scratch_operands = 4 : i64, tpu.core_type = #tpu.core_type<sc_vector_subcore>, window_params = [{transform_indices = #map}, {transform_indices = #map}, {transform_indices = #map}, {transform_indices = #map}]} {
    "tpu.region"() ({
      %run_scoped3A = tpu.sem_alloc : memref<!tpu.dma_semaphore, #tpu.memory_space<semaphore_mem>>
      %dma_start3A = arith.constant 0 : i32
      %dma_start3A_1030 = tpu.memref_slice %arg2[%arg1, %dma_start3A] : memref<16x1024xf32, #tpu.memory_space<hbm>> -> memref<1x1024xf32, #tpu.memory_space<hbm>>
      %dma_start3A_1031 = tpu.memref_squeeze %dma_start3A_1030 : memref<1x1024xf32, #tpu.memory_space<hbm>> -> memref<1024xf32, #tpu.memory_space<hbm>>
      %dma_start3A_1032 = arith.constant 0 : i32
      %dma_start3A_1033 = tpu.memref_slice %arg2[%arg1, %dma_start3A_1032] : memref<16x1024xf32, #tpu.memory_space<hbm>> -> memref<1x1024xf32, #tpu.memory_space<hbm>>
      %dma_start3A_1034 = tpu.memref_squeeze %dma_start3A_1033 : memref<1x1024xf32, #tpu.memory_space<hbm>> -> memref<1024xf32, #tpu.memory_space<hbm>>
      tpu.enqueue_dma source(%dma_start3A_1034 : memref<1024xf32, #tpu.memory_space<hbm>>) target(%arg6 : memref<1024xf32, #tpu.memory_space<vmem>>) target_semaphore(%run_scoped3A : memref<!tpu.dma_semaphore, #tpu.memory_space<semaphore_mem>>)
      %dma_wait3A = arith.constant 0 : i32
      %dma_wait3A_1035 = tpu.memref_slice %arg2[%arg1, %dma_wait3A] : memref<16x1024xf32, #tpu.memory_space<hbm>> -> memref<1x1024xf32, #tpu.memory_space<hbm>>
      %dma_wait3A_1036 = tpu.memref_squeeze %dma_wait3A_1035 : memref<1x1024xf32, #tpu.memory_space<hbm>> -> memref<1024xf32, #tpu.memory_space<hbm>>
      %dma_wait3A_1037 = arith.constant 0 : i32
      %dma_wait3A_1038 = tpu.memref_slice %arg2[%arg1, %dma_wait3A_1037] : memref<16x1024xf32, #tpu.memory_space<hbm>> -> memref<1x1024xf32, #tpu.memory_space<hbm>>
      %dma_wait3A_1039 = tpu.memref_squeeze %dma_wait3A_1038 : memref<1x1024xf32, #tpu.memory_space<hbm>> -> memref<1024xf32, #tpu.memory_space<hbm>>
      tpu.wait_dma2 semaphore(%run_scoped3A : memref<!tpu.dma_semaphore, #tpu.memory_space<semaphore_mem>>) src(%dma_wait3A_1039 : memref<1024xf32, #tpu.memory_space<hbm>>) dst(%arg6 : memref<1024xf32, #tpu.memory_space<vmem>>)
      tpu.yield
    }) : () -> ()
    "tpu.region"() ({
      %run_scoped3A = tpu.sem_alloc : memref<!tpu.dma_semaphore, #tpu.memory_space<semaphore_mem>>
      %dma_start3A = arith.constant 0 : i32
      %dma_start3A_1030 = tpu.memref_slice %arg3[%arg1, %dma_start3A] : memref<16x1024xf32, #tpu.memory_space<hbm>> -> memref<1x1024xf32, #tpu.memory_space<hbm>>
      %dma_start3A_1031 = tpu.memref_squeeze %dma_start3A_1030 : memref<1x1024xf32, #tpu.memory_space<hbm>> -> memref<1024xf32, #tpu.memory_space<hbm>>
      %dma_start3A_1032 = arith.constant 0 : i32
      %dma_start3A_1033 = tpu.memref_slice %arg3[%arg1, %dma_start3A_1032] : memref<16x1024xf32, #tpu.memory_space<hbm>> -> memref<1x1024xf32, #tpu.memory_space<hbm>>
      %dma_start3A_1034 = tpu.memref_squeeze %dma_start3A_1033 : memref<1x1024xf32, #tpu.memory_space<hbm>> -> memref<1024xf32, #tpu.memory_space<hbm>>
      tpu.enqueue_dma source(%dma_start3A_1034 : memref<1024xf32, #tpu.memory_space<hbm>>) target(%arg7 : memref<1024xf32, #tpu.memory_space<vmem>>) target_semaphore(%run_scoped3A : memref<!tpu.dma_semaphore, #tpu.memory_space<semaphore_mem>>)
      %dma_wait3A = arith.constant 0 : i32
      %dma_wait3A_1035 = tpu.memref_slice %arg3[%arg1, %dma_wait3A] : memref<16x1024xf32, #tpu.memory_space<hbm>> -> memref<1x1024xf32, #tpu.memory_space<hbm>>
      %dma_wait3A_1036 = tpu.memref_squeeze %dma_wait3A_1035 : memref<1x1024xf32, #tpu.memory_space<hbm>> -> memref<1024xf32, #tpu.memory_space<hbm>>
      %dma_wait3A_1037 = arith.constant 0 : i32
      %dma_wait3A_1038 = tpu.memref_slice %arg3[%arg1, %dma_wait3A_1037] : memref<16x1024xf32, #tpu.memory_space<hbm>> -> memref<1x1024xf32, #tpu.memory_space<hbm>>
      %dma_wait3A_1039 = tpu.memref_squeeze %dma_wait3A_1038 : memref<1x1024xf32, #tpu.memory_space<hbm>> -> memref<1024xf32, #tpu.memory_space<hbm>>
      tpu.wait_dma2 semaphore(%run_scoped3A : memref<!tpu.dma_semaphore, #tpu.memory_space<semaphore_mem>>) src(%dma_wait3A_1039 : memref<1024xf32, #tpu.memory_space<hbm>>) dst(%arg7 : memref<1024xf32, #tpu.memory_space<vmem>>)
      tpu.yield
    }) : () -> ()
    "tpu.region"() ({
      %run_scoped3A = tpu.sem_alloc : memref<!tpu.dma_semaphore, #tpu.memory_space<semaphore_mem>>
      %dma_start3A = arith.constant 0 : i32
      %dma_start3A_1030 = tpu.memref_slice %arg4[%arg1, %dma_start3A] : memref<16x1024xf32, #tpu.memory_space<hbm>> -> memref<1x1024xf32, #tpu.memory_space<hbm>>
      %dma_start3A_1031 = tpu.memref_squeeze %dma_start3A_1030 : memref<1x1024xf32, #tpu.memory_space<hbm>> -> memref<1024xf32, #tpu.memory_space<hbm>>
      %dma_start3A_1032 = arith.constant 0 : i32
      %dma_start3A_1033 = tpu.memref_slice %arg4[%arg1, %dma_start3A_1032] : memref<16x1024xf32, #tpu.memory_space<hbm>> -> memref<1x1024xf32, #tpu.memory_space<hbm>>
      %dma_start3A_1034 = tpu.memref_squeeze %dma_start3A_1033 : memref<1x1024xf32, #tpu.memory_space<hbm>> -> memref<1024xf32, #tpu.memory_space<hbm>>
      tpu.enqueue_dma source(%dma_start3A_1034 : memref<1024xf32, #tpu.memory_space<hbm>>) target(%arg8 : memref<1024xf32, #tpu.memory_space<vmem>>) target_semaphore(%run_scoped3A : memref<!tpu.dma_semaphore, #tpu.memory_space<semaphore_mem>>)
      %dma_wait3A = arith.constant 0 : i32
      %dma_wait3A_1035 = tpu.memref_slice %arg4[%arg1, %dma_wait3A] : memref<16x1024xf32, #tpu.memory_space<hbm>> -> memref<1x1024xf32, #tpu.memory_space<hbm>>
      %dma_wait3A_1036 = tpu.memref_squeeze %dma_wait3A_1035 : memref<1x1024xf32, #tpu.memory_space<hbm>> -> memref<1024xf32, #tpu.memory_space<hbm>>
      %dma_wait3A_1037 = arith.constant 0 : i32
      %dma_wait3A_1038 = tpu.memref_slice %arg4[%arg1, %dma_wait3A_1037] : memref<16x1024xf32, #tpu.memory_space<hbm>> -> memref<1x1024xf32, #tpu.memory_space<hbm>>
      %dma_wait3A_1039 = tpu.memref_squeeze %dma_wait3A_1038 : memref<1x1024xf32, #tpu.memory_space<hbm>> -> memref<1024xf32, #tpu.memory_space<hbm>>
      tpu.wait_dma2 semaphore(%run_scoped3A : memref<!tpu.dma_semaphore, #tpu.memory_space<semaphore_mem>>) src(%dma_wait3A_1039 : memref<1024xf32, #tpu.memory_space<hbm>>) dst(%arg8 : memref<1024xf32, #tpu.memory_space<vmem>>)
      tpu.yield
    }) : () -> ()
    %iota3A = tpu.iota {dimensions = array<i32: 0>} : vector<16xi32>
    %broadcast_in_dim3A = arith.constant 0.000000e+00 : f32
    %broadcast_in_dim3A_0 = vector.broadcast %broadcast_in_dim3A : f32 to vector<16xf32>
    %mul3A = arith.constant 4 : i32
    %mul3A_1 = arith.muli %arg0, %mul3A : i32
    %add3A = arith.constant 0 : i32
    %add3A_2 = arith.addi %mul3A_1, %add3A : i32
    %broadcast_in_dim3A_3 = vector.broadcast %add3A_2 : i32 to vector<16xi32>
    %convert_element_type3A = arith.sitofp %broadcast_in_dim3A_3 : vector<16xi32> to vector<16xf32>
    %broadcast_in_dim3A_4 = arith.constant -1.000000e+00 : f32
    %broadcast_in_dim3A_5 = vector.broadcast %broadcast_in_dim3A_4 : f32 to vector<16xf32>
    %broadcast_in_dim3A_6 = arith.constant 0.000000e+00 : f32
    %broadcast_in_dim3A_7 = vector.broadcast %broadcast_in_dim3A_6 : f32 to vector<16xf32>
    %broadcast_in_dim3A_8 = arith.constant 0.000000e+00 : f32
    %broadcast_in_dim3A_9 = vector.broadcast %broadcast_in_dim3A_8 : f32 to vector<16xf32>
    %scan3A = arith.constant 0 : i32
    %scan3A_10 = arith.constant 64 : i32
    %scan3A_11 = arith.addi %scan3A, %scan3A_10 : i32
    %scan3A_12 = arith.constant 1 : i32
    %scan3A_13:3 = scf.for %scan3A_1030 = %scan3A to %scan3A_11 step %scan3A_12 iter_args(%scan3A_1031 = %broadcast_in_dim3A_5, %scan3A_1032 = %broadcast_in_dim3A_7, %scan3A_1033 = %broadcast_in_dim3A_9) -> (vector<16xf32>, vector<16xf32>, vector<16xf32>)  : i32 {
      %mul3A_1034 = arith.constant 16 : i32
      %mul3A_1035 = arith.muli %scan3A_1030, %mul3A_1034 : i32
      %get3A = arith.index_cast %mul3A_1035 : i32 to index
      %get3A_1036 = tpu.vector_load %arg6[%get3A] {strides = array<i32>} : memref<1024xf32, #tpu.memory_space<vmem>>, vector<16xf32>,
      %get3A_1037 = vector.shape_cast %get3A_1036 : vector<16xf32> to vector<16xf32>
      %mul3A_1038 = arith.constant 16 : i32
      %mul3A_1039 = arith.muli %scan3A_1030, %mul3A_1038 : i32
      %get3A_1040 = arith.index_cast %mul3A_1039 : i32 to index
      %get3A_1041 = tpu.vector_load %arg7[%get3A_1040] {strides = array<i32>} : memref<1024xf32, #tpu.memory_space<vmem>>, vector<16xf32>,
      %get3A_1042 = vector.shape_cast %get3A_1041 : vector<16xf32> to vector<16xf32>
      %mul3A_1043 = arith.constant 16 : i32
      %mul3A_1044 = arith.muli %scan3A_1030, %mul3A_1043 : i32
      %get3A_1045 = arith.index_cast %mul3A_1044 : i32 to index
      %get3A_1046 = tpu.vector_load %arg8[%get3A_1045] {strides = array<i32>} : memref<1024xf32, #tpu.memory_space<vmem>>, vector<16xf32>,
      %get3A_1047 = vector.shape_cast %get3A_1046 : vector<16xf32> to vector<16xf32>
      %eq3A = arith.cmpf oeq, %get3A_1042, %convert_element_type3A : vector<16xf32>
      %jit3A_1048 = arith.constant -1.000000e+00 : f32
      %broadcast_in_dim3A_1049 = vector.broadcast %jit3A_1048 : f32 to vector<16xf32>
      %select_n3A_1050 = arith.select %eq3A, %get3A_1047, %broadcast_in_dim3A_1049 : vector<16xi1>, vector<16xf32>
      %max3A_1051 = arith.maximumf %scan3A_1031, %select_n3A_1050 : vector<16xf32>
      %jit3A_1052 = arith.constant 0.000000e+00 : f32
      %broadcast_in_dim3A_1053 = vector.broadcast %jit3A_1052 : f32 to vector<16xf32>
      %select_n3A_1054 = arith.select %eq3A, %get3A_1037, %broadcast_in_dim3A_1053 : vector<16xi1>, vector<16xf32>
      %add3A_1055 = arith.addf %scan3A_1032, %select_n3A_1054 : vector<16xf32>
      %jit3A_1056 = arith.constant 1.000000e+00 : f32
      %jit3A_1057 = arith.constant 0.000000e+00 : f32
      %broadcast_in_dim3A_1058 = vector.broadcast %jit3A_1056 : f32 to vector<16xf32>
      %broadcast_in_dim3A_1059 = vector.broadcast %jit3A_1057 : f32 to vector<16xf32>
      %select_n3A_1060 = arith.select %eq3A, %broadcast_in_dim3A_1058, %broadcast_in_dim3A_1059 : vector<16xi1>, vector<16xf32>
      %add3A_1061 = arith.addf %scan3A_1033, %select_n3A_1060 : vector<16xf32>
      scf.yield %max3A_1051, %add3A_1055, %add3A_1061 : vector<16xf32>, vector<16xf32>, vector<16xf32>
    }
    %scan3A_14 = arith.constant 64 : i32
    %xor3A = arith.constant 1 : i32
    %xor3A_15 = vector.broadcast %xor3A : i32 to vector<16xi32>
    %xor3A_16 = arith.xori %iota3A, %xor3A_15 : vector<16xi32>
    %lt3A = arith.constant 0 : i32
    %lt3A_17 = vector.broadcast %lt3A : i32 to vector<16xi32>
    %lt3A_18 = arith.cmpi slt, %xor3A_16, %lt3A_17 : vector<16xi32>
    %add3A_19 = arith.constant 16 : i32
    %add3A_20 = vector.broadcast %add3A_19 : i32 to vector<16xi32>
    %add3A_21 = arith.addi %xor3A_16, %add3A_20 : vector<16xi32>
    %select_n3A = arith.select %lt3A_18, %add3A_21, %xor3A_16 : vector<16xi1>, vector<16xi32>
    %broadcast_in_dim3A_22 = vector.shape_cast %select_n3A : vector<16xi32> to vector<16x1xi32>
    %gather3A = vector.shape_cast %broadcast_in_dim3A_22 : vector<16x1xi32> to vector<16xi32>
    %gather3A_23 = tpu.dynamic_gather %scan3A_13#0[%gather3A] in [0] : vector<16xf32>, vector<16xi32> -> vector<16xf32>
    %max3A = arith.maximumf %scan3A_13#0, %gather3A_23 : vector<16xf32>
    %xor3A_24 = arith.constant 1 : i32
    %xor3A_25 = vector.broadcast %xor3A_24 : i32 to vector<16xi32>
    %xor3A_26 = arith.xori %iota3A, %xor3A_25 : vector<16xi32>
    %lt3A_27 = arith.constant 0 : i32
    %lt3A_28 = vector.broadcast %lt3A_27 : i32 to vector<16xi32>
    %lt3A_29 = arith.cmpi slt, %xor3A_26, %lt3A_28 : vector<16xi32>
    %add3A_30 = arith.constant 16 : i32
    %add3A_31 = vector.broadcast %add3A_30 : i32 to vector<16xi32>
    %add3A_32 = arith.addi %xor3A_26, %add3A_31 : vector<16xi32>
    %select_n3A_33 = arith.select %lt3A_29, %add3A_32, %xor3A_26 : vector<16xi1>, vector<16xi32>
    %broadcast_in_dim3A_34 = vector.shape_cast %select_n3A_33 : vector<16xi32> to vector<16x1xi32>
    %gather3A_35 = vector.shape_cast %broadcast_in_dim3A_34 : vector<16x1xi32> to vector<16xi32>
    %gather3A_36 = tpu.dynamic_gather %scan3A_13#1[%gather3A_35] in [0] : vector<16xf32>, vector<16xi32> -> vector<16xf32>
    %add3A_37 = arith.addf %scan3A_13#1, %gather3A_36 : vector<16xf32>
    %xor3A_38 = arith.constant 1 : i32
    %xor3A_39 = vector.broadcast %xor3A_38 : i32 to vector<16xi32>
    %xor3A_40 = arith.xori %iota3A, %xor3A_39 : vector<16xi32>
    %lt3A_41 = arith.constant 0 : i32
    %lt3A_42 = vector.broadcast %lt3A_41 : i32 to vector<16xi32>
    %lt3A_43 = arith.cmpi slt, %xor3A_40, %lt3A_42 : vector<16xi32>
    %add3A_44 = arith.constant 16 : i32
    %add3A_45 = vector.broadcast %add3A_44 : i32 to vector<16xi32>
    %add3A_46 = arith.addi %xor3A_40, %add3A_45 : vector<16xi32>
    %select_n3A_47 = arith.select %lt3A_43, %add3A_46, %xor3A_40 : vector<16xi1>, vector<16xi32>
    %broadcast_in_dim3A_48 = vector.shape_cast %select_n3A_47 : vector<16xi32> to vector<16x1xi32>
    %gather3A_49 = vector.shape_cast %broadcast_in_dim3A_48 : vector<16x1xi32> to vector<16xi32>
    %gather3A_50 = tpu.dynamic_gather %scan3A_13#2[%gather3A_49] in [0] : vector<16xf32>, vector<16xi32> -> vector<16xf32>
    %add3A_51 = arith.addf %scan3A_13#2, %gather3A_50 : vector<16xf32>
    %xor3A_52 = arith.constant 2 : i32
    %xor3A_53 = vector.broadcast %xor3A_52 : i32 to vector<16xi32>
    %xor3A_54 = arith.xori %iota3A, %xor3A_53 : vector<16xi32>
    %lt3A_55 = arith.constant 0 : i32
    %lt3A_56 = vector.broadcast %lt3A_55 : i32 to vector<16xi32>
    %lt3A_57 = arith.cmpi slt, %xor3A_54, %lt3A_56 : vector<16xi32>
    %add3A_58 = arith.constant 16 : i32
    %add3A_59 = vector.broadcast %add3A_58 : i32 to vector<16xi32>
    %add3A_60 = arith.addi %xor3A_54, %add3A_59 : vector<16xi32>
    %select_n3A_61 = arith.select %lt3A_57, %add3A_60, %xor3A_54 : vector<16xi1>, vector<16xi32>
    %broadcast_in_dim3A_62 = vector.shape_cast %select_n3A_61 : vector<16xi32> to vector<16x1xi32>
    %gather3A_63 = vector.shape_cast %broadcast_in_dim3A_62 : vector<16x1xi32> to vector<16xi32>
    %gather3A_64 = tpu.dynamic_gather %max3A[%gather3A_63] in [0] : vector<16xf32>, vector<16xi32> -> vector<16xf32>
    %max3A_65 = arith.maximumf %max3A, %gather3A_64 : vector<16xf32>
    %xor3A_66 = arith.constant 2 : i32
    %xor3A_67 = vector.broadcast %xor3A_66 : i32 to vector<16xi32>
    %xor3A_68 = arith.xori %iota3A, %xor3A_67 : vector<16xi32>
    %lt3A_69 = arith.constant 0 : i32
    %lt3A_70 = vector.broadcast %lt3A_69 : i32 to vector<16xi32>
    %lt3A_71 = arith.cmpi slt, %xor3A_68, %lt3A_70 : vector<16xi32>
    %add3A_72 = arith.constant 16 : i32
    %add3A_73 = vector.broadcast %add3A_72 : i32 to vector<16xi32>
    %add3A_74 = arith.addi %xor3A_68, %add3A_73 : vector<16xi32>
    %select_n3A_75 = arith.select %lt3A_71, %add3A_74, %xor3A_68 : vector<16xi1>, vector<16xi32>
    %broadcast_in_dim3A_76 = vector.shape_cast %select_n3A_75 : vector<16xi32> to vector<16x1xi32>
    %gather3A_77 = vector.shape_cast %broadcast_in_dim3A_76 : vector<16x1xi32> to vector<16xi32>
    %gather3A_78 = tpu.dynamic_gather %add3A_37[%gather3A_77] in [0] : vector<16xf32>, vector<16xi32> -> vector<16xf32>
    %add3A_79 = arith.addf %add3A_37, %gather3A_78 : vector<16xf32>
    %xor3A_80 = arith.constant 2 : i32
    %xor3A_81 = vector.broadcast %xor3A_80 : i32 to vector<16xi32>
    %xor3A_82 = arith.xori %iota3A, %xor3A_81 : vector<16xi32>
    %lt3A_83 = arith.constant 0 : i32
    %lt3A_84 = vector.broadcast %lt3A_83 : i32 to vector<16xi32>
    %lt3A_85 = arith.cmpi slt, %xor3A_82, %lt3A_84 : vector<16xi32>
    %add3A_86 = arith.constant 16 : i32
    %add3A_87 = vector.broadcast %add3A_86 : i32 to vector<16xi32>
    %add3A_88 = arith.addi %xor3A_82, %add3A_87 : vector<16xi32>
    %select_n3A_89 = arith.select %lt3A_85, %add3A_88, %xor3A_82 : vector<16xi1>, vector<16xi32>
    %broadcast_in_dim3A_90 = vector.shape_cast %select_n3A_89 : vector<16xi32> to vector<16x1xi32>
    %gather3A_91 = vector.shape_cast %broadcast_in_dim3A_90 : vector<16x1xi32> to vector<16xi32>
    %gather3A_92 = tpu.dynamic_gather %add3A_51[%gather3A_91] in [0] : vector<16xf32>, vector<16xi32> -> vector<16xf32>
    %add3A_93 = arith.addf %add3A_51, %gather3A_92 : vector<16xf32>
    %xor3A_94 = arith.constant 4 : i32
    %xor3A_95 = vector.broadcast %xor3A_94 : i32 to vector<16xi32>
    %xor3A_96 = arith.xori %iota3A, %xor3A_95 : vector<16xi32>
    %lt3A_97 = arith.constant 0 : i32
    %lt3A_98 = vector.broadcast %lt3A_97 : i32 to vector<16xi32>
    %lt3A_99 = arith.cmpi slt, %xor3A_96, %lt3A_98 : vector<16xi32>
    %add3A_100 = arith.constant 16 : i32
    %add3A_101 = vector.broadcast %add3A_100 : i32 to vector<16xi32>
    %add3A_102 = arith.addi %xor3A_96, %add3A_101 : vector<16xi32>
    %select_n3A_103 = arith.select %lt3A_99, %add3A_102, %xor3A_96 : vector<16xi1>, vector<16xi32>
    %broadcast_in_dim3A_104 = vector.shape_cast %select_n3A_103 : vector<16xi32> to vector<16x1xi32>
    %gather3A_105 = vector.shape_cast %broadcast_in_dim3A_104 : vector<16x1xi32> to vector<16xi32>
    %gather3A_106 = tpu.dynamic_gather %max3A_65[%gather3A_105] in [0] : vector<16xf32>, vector<16xi32> -> vector<16xf32>
    %max3A_107 = arith.maximumf %max3A_65, %gather3A_106 : vector<16xf32>
    %xor3A_108 = arith.constant 4 : i32
    %xor3A_109 = vector.broadcast %xor3A_108 : i32 to vector<16xi32>
    %xor3A_110 = arith.xori %iota3A, %xor3A_109 : vector<16xi32>
    %lt3A_111 = arith.constant 0 : i32
    %lt3A_112 = vector.broadcast %lt3A_111 : i32 to vector<16xi32>
    %lt3A_113 = arith.cmpi slt, %xor3A_110, %lt3A_112 : vector<16xi32>
    %add3A_114 = arith.constant 16 : i32
    %add3A_115 = vector.broadcast %add3A_114 : i32 to vector<16xi32>
    %add3A_116 = arith.addi %xor3A_110, %add3A_115 : vector<16xi32>
    %select_n3A_117 = arith.select %lt3A_113, %add3A_116, %xor3A_110 : vector<16xi1>, vector<16xi32>
    %broadcast_in_dim3A_118 = vector.shape_cast %select_n3A_117 : vector<16xi32> to vector<16x1xi32>
    %gather3A_119 = vector.shape_cast %broadcast_in_dim3A_118 : vector<16x1xi32> to vector<16xi32>
    %gather3A_120 = tpu.dynamic_gather %add3A_79[%gather3A_119] in [0] : vector<16xf32>, vector<16xi32> -> vector<16xf32>
    %add3A_121 = arith.addf %add3A_79, %gather3A_120 : vector<16xf32>
    %xor3A_122 = arith.constant 4 : i32
    %xor3A_123 = vector.broadcast %xor3A_122 : i32 to vector<16xi32>
    %xor3A_124 = arith.xori %iota3A, %xor3A_123 : vector<16xi32>
    %lt3A_125 = arith.constant 0 : i32
    %lt3A_126 = vector.broadcast %lt3A_125 : i32 to vector<16xi32>
    %lt3A_127 = arith.cmpi slt, %xor3A_124, %lt3A_126 : vector<16xi32>
    %add3A_128 = arith.constant 16 : i32
    %add3A_129 = vector.broadcast %add3A_128 : i32 to vector<16xi32>
    %add3A_130 = arith.addi %xor3A_124, %add3A_129 : vector<16xi32>
    %select_n3A_131 = arith.select %lt3A_127, %add3A_130, %xor3A_124 : vector<16xi1>, vector<16xi32>
    %broadcast_in_dim3A_132 = vector.shape_cast %select_n3A_131 : vector<16xi32> to vector<16x1xi32>
    %gather3A_133 = vector.shape_cast %broadcast_in_dim3A_132 : vector<16x1xi32> to vector<16xi32>
    %gather3A_134 = tpu.dynamic_gather %add3A_93[%gather3A_133] in [0] : vector<16xf32>, vector<16xi32> -> vector<16xf32>
    %add3A_135 = arith.addf %add3A_93, %gather3A_134 : vector<16xf32>
    %xor3A_136 = arith.constant 8 : i32
    %xor3A_137 = vector.broadcast %xor3A_136 : i32 to vector<16xi32>
    %xor3A_138 = arith.xori %iota3A, %xor3A_137 : vector<16xi32>
    %lt3A_139 = arith.constant 0 : i32
    %lt3A_140 = vector.broadcast %lt3A_139 : i32 to vector<16xi32>
    %lt3A_141 = arith.cmpi slt, %xor3A_138, %lt3A_140 : vector<16xi32>
    %add3A_142 = arith.constant 16 : i32
    %add3A_143 = vector.broadcast %add3A_142 : i32 to vector<16xi32>
    %add3A_144 = arith.addi %xor3A_138, %add3A_143 : vector<16xi32>
    %select_n3A_145 = arith.select %lt3A_141, %add3A_144, %xor3A_138 : vector<16xi1>, vector<16xi32>
    %broadcast_in_dim3A_146 = vector.shape_cast %select_n3A_145 : vector<16xi32> to vector<16x1xi32>
    %gather3A_147 = vector.shape_cast %broadcast_in_dim3A_146 : vector<16x1xi32> to vector<16xi32>
    %gather3A_148 = tpu.dynamic_gather %max3A_107[%gather3A_147] in [0] : vector<16xf32>, vector<16xi32> -> vector<16xf32>
    %max3A_149 = arith.maximumf %max3A_107, %gather3A_148 : vector<16xf32>
    %xor3A_150 = arith.constant 8 : i32
    %xor3A_151 = vector.broadcast %xor3A_150 : i32 to vector<16xi32>
    %xor3A_152 = arith.xori %iota3A, %xor3A_151 : vector<16xi32>
    %lt3A_153 = arith.constant 0 : i32
    %lt3A_154 = vector.broadcast %lt3A_153 : i32 to vector<16xi32>
    %lt3A_155 = arith.cmpi slt, %xor3A_152, %lt3A_154 : vector<16xi32>
    %add3A_156 = arith.constant 16 : i32
    %add3A_157 = vector.broadcast %add3A_156 : i32 to vector<16xi32>
    %add3A_158 = arith.addi %xor3A_152, %add3A_157 : vector<16xi32>
    %select_n3A_159 = arith.select %lt3A_155, %add3A_158, %xor3A_152 : vector<16xi1>, vector<16xi32>
    %broadcast_in_dim3A_160 = vector.shape_cast %select_n3A_159 : vector<16xi32> to vector<16x1xi32>
    %gather3A_161 = vector.shape_cast %broadcast_in_dim3A_160 : vector<16x1xi32> to vector<16xi32>
    %gather3A_162 = tpu.dynamic_gather %add3A_121[%gather3A_161] in [0] : vector<16xf32>, vector<16xi32> -> vector<16xf32>
    %add3A_163 = arith.addf %add3A_121, %gather3A_162 : vector<16xf32>
    %xor3A_164 = arith.constant 8 : i32
    %xor3A_165 = vector.broadcast %xor3A_164 : i32 to vector<16xi32>
    %xor3A_166 = arith.xori %iota3A, %xor3A_165 : vector<16xi32>
    %lt3A_167 = arith.constant 0 : i32
    %lt3A_168 = vector.broadcast %lt3A_167 : i32 to vector<16xi32>
    %lt3A_169 = arith.cmpi slt, %xor3A_166, %lt3A_168 : vector<16xi32>
    %add3A_170 = arith.constant 16 : i32
    %add3A_171 = vector.broadcast %add3A_170 : i32 to vector<16xi32>
    %add3A_172 = arith.addi %xor3A_166, %add3A_171 : vector<16xi32>
    %select_n3A_173 = arith.select %lt3A_169, %add3A_172, %xor3A_166 : vector<16xi1>, vector<16xi32>
    %broadcast_in_dim3A_174 = vector.shape_cast %select_n3A_173 : vector<16xi32> to vector<16x1xi32>
    %gather3A_175 = vector.shape_cast %broadcast_in_dim3A_174 : vector<16x1xi32> to vector<16xi32>
    %gather3A_176 = tpu.dynamic_gather %add3A_135[%gather3A_175] in [0] : vector<16xf32>, vector<16xi32> -> vector<16xf32>
    %add3A_177 = arith.addf %add3A_135, %gather3A_176 : vector<16xf32>
    %broadcast_in_dim3A_178 = arith.constant 0x7F800000 : f32
    %broadcast_in_dim3A_179 = vector.broadcast %broadcast_in_dim3A_178 : f32 to vector<16xf32>
    %scan3A_180 = arith.constant 0 : i32
    %scan3A_181 = arith.constant 64 : i32
    %scan3A_182 = arith.addi %scan3A_180, %scan3A_181 : i32
    %scan3A_183 = arith.constant 1 : i32
    %scan3A_184 = scf.for %scan3A_1030 = %scan3A_180 to %scan3A_182 step %scan3A_183 iter_args(%scan3A_1031 = %broadcast_in_dim3A_179) -> (vector<16xf32>)  : i32 {
      %mul3A_1032 = arith.constant 16 : i32
      %mul3A_1033 = arith.muli %scan3A_1030, %mul3A_1032 : i32
      %get3A = arith.index_cast %mul3A_1033 : i32 to index
      %get3A_1034 = tpu.vector_load %arg6[%get3A] {strides = array<i32>} : memref<1024xf32, #tpu.memory_space<vmem>>, vector<16xf32>,
      %get3A_1035 = vector.shape_cast %get3A_1034 : vector<16xf32> to vector<16xf32>
      %mul3A_1036 = arith.constant 16 : i32
      %mul3A_1037 = arith.muli %scan3A_1030, %mul3A_1036 : i32
      %get3A_1038 = arith.index_cast %mul3A_1037 : i32 to index
      %get3A_1039 = tpu.vector_load %arg7[%get3A_1038] {strides = array<i32>} : memref<1024xf32, #tpu.memory_space<vmem>>, vector<16xf32>,
      %get3A_1040 = vector.shape_cast %get3A_1039 : vector<16xf32> to vector<16xf32>
      %mul3A_1041 = arith.constant 16 : i32
      %mul3A_1042 = arith.muli %scan3A_1030, %mul3A_1041 : i32
      %get3A_1043 = arith.index_cast %mul3A_1042 : i32 to index
      %get3A_1044 = tpu.vector_load %arg8[%get3A_1043] {strides = array<i32>} : memref<1024xf32, #tpu.memory_space<vmem>>, vector<16xf32>,
      %get3A_1045 = vector.shape_cast %get3A_1044 : vector<16xf32> to vector<16xf32>
      %eq3A = arith.cmpf oeq, %get3A_1040, %convert_element_type3A : vector<16xf32>
      %eq3A_1046 = arith.cmpf oeq, %get3A_1045, %max3A_149 : vector<16xf32>
      %and3A = arith.andi %eq3A, %eq3A_1046 : vector<16xi1>
      %jit3A_1047 = arith.constant 0x7F800000 : f32
      %broadcast_in_dim3A_1048 = vector.broadcast %jit3A_1047 : f32 to vector<16xf32>
      %select_n3A_1049 = arith.select %and3A, %get3A_1035, %broadcast_in_dim3A_1048 : vector<16xi1>, vector<16xf32>
      %min3A_1050 = arith.minimumf %scan3A_1031, %select_n3A_1049 : vector<16xf32>
      scf.yield %min3A_1050 : vector<16xf32>
    }
    %scan3A_185 = arith.constant 64 : i32
    %xor3A_186 = arith.constant 1 : i32
    %xor3A_187 = vector.broadcast %xor3A_186 : i32 to vector<16xi32>
    %xor3A_188 = arith.xori %iota3A, %xor3A_187 : vector<16xi32>
    %lt3A_189 = arith.constant 0 : i32
    %lt3A_190 = vector.broadcast %lt3A_189 : i32 to vector<16xi32>
    %lt3A_191 = arith.cmpi slt, %xor3A_188, %lt3A_190 : vector<16xi32>
    %add3A_192 = arith.constant 16 : i32
    %add3A_193 = vector.broadcast %add3A_192 : i32 to vector<16xi32>
    %add3A_194 = arith.addi %xor3A_188, %add3A_193 : vector<16xi32>
    %select_n3A_195 = arith.select %lt3A_191, %add3A_194, %xor3A_188 : vector<16xi1>, vector<16xi32>
    %broadcast_in_dim3A_196 = vector.shape_cast %select_n3A_195 : vector<16xi32> to vector<16x1xi32>
    %gather3A_197 = vector.shape_cast %broadcast_in_dim3A_196 : vector<16x1xi32> to vector<16xi32>
    %gather3A_198 = tpu.dynamic_gather %scan3A_184[%gather3A_197] in [0] : vector<16xf32>, vector<16xi32> -> vector<16xf32>
    %min3A = arith.minimumf %scan3A_184, %gather3A_198 : vector<16xf32>
    %xor3A_199 = arith.constant 2 : i32
    %xor3A_200 = vector.broadcast %xor3A_199 : i32 to vector<16xi32>
    %xor3A_201 = arith.xori %iota3A, %xor3A_200 : vector<16xi32>
    %lt3A_202 = arith.constant 0 : i32
    %lt3A_203 = vector.broadcast %lt3A_202 : i32 to vector<16xi32>
    %lt3A_204 = arith.cmpi slt, %xor3A_201, %lt3A_203 : vector<16xi32>
    %add3A_205 = arith.constant 16 : i32
    %add3A_206 = vector.broadcast %add3A_205 : i32 to vector<16xi32>
    %add3A_207 = arith.addi %xor3A_201, %add3A_206 : vector<16xi32>
    %select_n3A_208 = arith.select %lt3A_204, %add3A_207, %xor3A_201 : vector<16xi1>, vector<16xi32>
    %broadcast_in_dim3A_209 = vector.shape_cast %select_n3A_208 : vector<16xi32> to vector<16x1xi32>
    %gather3A_210 = vector.shape_cast %broadcast_in_dim3A_209 : vector<16x1xi32> to vector<16xi32>
    %gather3A_211 = tpu.dynamic_gather %min3A[%gather3A_210] in [0] : vector<16xf32>, vector<16xi32> -> vector<16xf32>
    %min3A_212 = arith.minimumf %min3A, %gather3A_211 : vector<16xf32>
    %xor3A_213 = arith.constant 4 : i32
    %xor3A_214 = vector.broadcast %xor3A_213 : i32 to vector<16xi32>
    %xor3A_215 = arith.xori %iota3A, %xor3A_214 : vector<16xi32>
    %lt3A_216 = arith.constant 0 : i32
    %lt3A_217 = vector.broadcast %lt3A_216 : i32 to vector<16xi32>
    %lt3A_218 = arith.cmpi slt, %xor3A_215, %lt3A_217 : vector<16xi32>
    %add3A_219 = arith.constant 16 : i32
    %add3A_220 = vector.broadcast %add3A_219 : i32 to vector<16xi32>
    %add3A_221 = arith.addi %xor3A_215, %add3A_220 : vector<16xi32>
    %select_n3A_222 = arith.select %lt3A_218, %add3A_221, %xor3A_215 : vector<16xi1>, vector<16xi32>
    %broadcast_in_dim3A_223 = vector.shape_cast %select_n3A_222 : vector<16xi32> to vector<16x1xi32>
    %gather3A_224 = vector.shape_cast %broadcast_in_dim3A_223 : vector<16x1xi32> to vector<16xi32>
    %gather3A_225 = tpu.dynamic_gather %min3A_212[%gather3A_224] in [0] : vector<16xf32>, vector<16xi32> -> vector<16xf32>
    %min3A_226 = arith.minimumf %min3A_212, %gather3A_225 : vector<16xf32>
    %xor3A_227 = arith.constant 8 : i32
    %xor3A_228 = vector.broadcast %xor3A_227 : i32 to vector<16xi32>
    %xor3A_229 = arith.xori %iota3A, %xor3A_228 : vector<16xi32>
    %lt3A_230 = arith.constant 0 : i32
    %lt3A_231 = vector.broadcast %lt3A_230 : i32 to vector<16xi32>
    %lt3A_232 = arith.cmpi slt, %xor3A_229, %lt3A_231 : vector<16xi32>
    %add3A_233 = arith.constant 16 : i32
    %add3A_234 = vector.broadcast %add3A_233 : i32 to vector<16xi32>
    %add3A_235 = arith.addi %xor3A_229, %add3A_234 : vector<16xi32>
    %select_n3A_236 = arith.select %lt3A_232, %add3A_235, %xor3A_229 : vector<16xi1>, vector<16xi32>
    %broadcast_in_dim3A_237 = vector.shape_cast %select_n3A_236 : vector<16xi32> to vector<16x1xi32>
    %gather3A_238 = vector.shape_cast %broadcast_in_dim3A_237 : vector<16x1xi32> to vector<16xi32>
    %gather3A_239 = tpu.dynamic_gather %min3A_226[%gather3A_238] in [0] : vector<16xf32>, vector<16xi32> -> vector<16xf32>
    %min3A_240 = arith.minimumf %min3A_226, %gather3A_239 : vector<16xf32>
    %gt3A = arith.constant 0.000000e+00 : f32
    %gt3A_241 = vector.broadcast %gt3A : f32 to vector<16xf32>
    %gt3A_242 = arith.cmpf ogt, %add3A_177, %gt3A_241 : vector<16xf32>
    %mul3A_243 = arith.mulf %add3A_177, %min3A_240 : vector<16xf32>
    %sub3A = arith.subf %add3A_163, %mul3A_243 : vector<16xf32>
    %jit3A = arith.constant 0.000000e+00 : f32
    %broadcast_in_dim3A_244 = vector.broadcast %jit3A : f32 to vector<16xf32>
    %select_n3A_245 = arith.select %gt3A_242, %sub3A, %broadcast_in_dim3A_244 : vector<16xi1>, vector<16xf32>
    %add3A_246 = arith.addf %broadcast_in_dim3A_0, %select_n3A_245 : vector<16xf32>
    %mul3A_247 = arith.constant 4 : i32
    %mul3A_248 = arith.muli %arg0, %mul3A_247 : i32
    %add3A_249 = arith.constant 1 : i32
    %add3A_250 = arith.addi %mul3A_248, %add3A_249 : i32
    %broadcast_in_dim3A_251 = vector.broadcast %add3A_250 : i32 to vector<16xi32>
    %convert_element_type3A_252 = arith.sitofp %broadcast_in_dim3A_251 : vector<16xi32> to vector<16xf32>
    %broadcast_in_dim3A_253 = arith.constant -1.000000e+00 : f32
    %broadcast_in_dim3A_254 = vector.broadcast %broadcast_in_dim3A_253 : f32 to vector<16xf32>
    %broadcast_in_dim3A_255 = arith.constant 0.000000e+00 : f32
    %broadcast_in_dim3A_256 = vector.broadcast %broadcast_in_dim3A_255 : f32 to vector<16xf32>
    %broadcast_in_dim3A_257 = arith.constant 0.000000e+00 : f32
    %broadcast_in_dim3A_258 = vector.broadcast %broadcast_in_dim3A_257 : f32 to vector<16xf32>
    %scan3A_259 = arith.constant 0 : i32
    %scan3A_260 = arith.constant 64 : i32
    %scan3A_261 = arith.addi %scan3A_259, %scan3A_260 : i32
    %scan3A_262 = arith.constant 1 : i32
    %scan3A_263:3 = scf.for %scan3A_1030 = %scan3A_259 to %scan3A_261 step %scan3A_262 iter_args(%scan3A_1031 = %broadcast_in_dim3A_254, %scan3A_1032 = %broadcast_in_dim3A_256, %scan3A_1033 = %broadcast_in_dim3A_258) -> (vector<16xf32>, vector<16xf32>, vector<16xf32>)  : i32 {
      %mul3A_1034 = arith.constant 16 : i32
      %mul3A_1035 = arith.muli %scan3A_1030, %mul3A_1034 : i32
      %get3A = arith.index_cast %mul3A_1035 : i32 to index
      %get3A_1036 = tpu.vector_load %arg6[%get3A] {strides = array<i32>} : memref<1024xf32, #tpu.memory_space<vmem>>, vector<16xf32>,
      %get3A_1037 = vector.shape_cast %get3A_1036 : vector<16xf32> to vector<16xf32>
      %mul3A_1038 = arith.constant 16 : i32
      %mul3A_1039 = arith.muli %scan3A_1030, %mul3A_1038 : i32
      %get3A_1040 = arith.index_cast %mul3A_1039 : i32 to index
      %get3A_1041 = tpu.vector_load %arg7[%get3A_1040] {strides = array<i32>} : memref<1024xf32, #tpu.memory_space<vmem>>, vector<16xf32>,
      %get3A_1042 = vector.shape_cast %get3A_1041 : vector<16xf32> to vector<16xf32>
      %mul3A_1043 = arith.constant 16 : i32
      %mul3A_1044 = arith.muli %scan3A_1030, %mul3A_1043 : i32
      %get3A_1045 = arith.index_cast %mul3A_1044 : i32 to index
      %get3A_1046 = tpu.vector_load %arg8[%get3A_1045] {strides = array<i32>} : memref<1024xf32, #tpu.memory_space<vmem>>, vector<16xf32>,
      %get3A_1047 = vector.shape_cast %get3A_1046 : vector<16xf32> to vector<16xf32>
      %eq3A = arith.cmpf oeq, %get3A_1042, %convert_element_type3A_252 : vector<16xf32>
      %jit3A_1048 = arith.constant -1.000000e+00 : f32
      %broadcast_in_dim3A_1049 = vector.broadcast %jit3A_1048 : f32 to vector<16xf32>
      %select_n3A_1050 = arith.select %eq3A, %get3A_1047, %broadcast_in_dim3A_1049 : vector<16xi1>, vector<16xf32>
      %max3A_1051 = arith.maximumf %scan3A_1031, %select_n3A_1050 : vector<16xf32>
      %jit3A_1052 = arith.constant 0.000000e+00 : f32
      %broadcast_in_dim3A_1053 = vector.broadcast %jit3A_1052 : f32 to vector<16xf32>
      %select_n3A_1054 = arith.select %eq3A, %get3A_1037, %broadcast_in_dim3A_1053 : vector<16xi1>, vector<16xf32>
      %add3A_1055 = arith.addf %scan3A_1032, %select_n3A_1054 : vector<16xf32>
      %jit3A_1056 = arith.constant 1.000000e+00 : f32
      %jit3A_1057 = arith.constant 0.000000e+00 : f32
      %broadcast_in_dim3A_1058 = vector.broadcast %jit3A_1056 : f32 to vector<16xf32>
      %broadcast_in_dim3A_1059 = vector.broadcast %jit3A_1057 : f32 to vector<16xf32>
      %select_n3A_1060 = arith.select %eq3A, %broadcast_in_dim3A_1058, %broadcast_in_dim3A_1059 : vector<16xi1>, vector<16xf32>
      %add3A_1061 = arith.addf %scan3A_1033, %select_n3A_1060 : vector<16xf32>
      scf.yield %max3A_1051, %add3A_1055, %add3A_1061 : vector<16xf32>, vector<16xf32>, vector<16xf32>
    }
    %scan3A_264 = arith.constant 64 : i32
    %xor3A_265 = arith.constant 1 : i32
    %xor3A_266 = vector.broadcast %xor3A_265 : i32 to vector<16xi32>
    %xor3A_267 = arith.xori %iota3A, %xor3A_266 : vector<16xi32>
    %lt3A_268 = arith.constant 0 : i32
    %lt3A_269 = vector.broadcast %lt3A_268 : i32 to vector<16xi32>
    %lt3A_270 = arith.cmpi slt, %xor3A_267, %lt3A_269 : vector<16xi32>
    %add3A_271 = arith.constant 16 : i32
    %add3A_272 = vector.broadcast %add3A_271 : i32 to vector<16xi32>
    %add3A_273 = arith.addi %xor3A_267, %add3A_272 : vector<16xi32>
    %select_n3A_274 = arith.select %lt3A_270, %add3A_273, %xor3A_267 : vector<16xi1>, vector<16xi32>
    %broadcast_in_dim3A_275 = vector.shape_cast %select_n3A_274 : vector<16xi32> to vector<16x1xi32>
    %gather3A_276 = vector.shape_cast %broadcast_in_dim3A_275 : vector<16x1xi32> to vector<16xi32>
    %gather3A_277 = tpu.dynamic_gather %scan3A_263#0[%gather3A_276] in [0] : vector<16xf32>, vector<16xi32> -> vector<16xf32>
    %max3A_278 = arith.maximumf %scan3A_263#0, %gather3A_277 : vector<16xf32>
    %xor3A_279 = arith.constant 1 : i32
    %xor3A_280 = vector.broadcast %xor3A_279 : i32 to vector<16xi32>
    %xor3A_281 = arith.xori %iota3A, %xor3A_280 : vector<16xi32>
    %lt3A_282 = arith.constant 0 : i32
    %lt3A_283 = vector.broadcast %lt3A_282 : i32 to vector<16xi32>
    %lt3A_284 = arith.cmpi slt, %xor3A_281, %lt3A_283 : vector<16xi32>
    %add3A_285 = arith.constant 16 : i32
    %add3A_286 = vector.broadcast %add3A_285 : i32 to vector<16xi32>
    %add3A_287 = arith.addi %xor3A_281, %add3A_286 : vector<16xi32>
    %select_n3A_288 = arith.select %lt3A_284, %add3A_287, %xor3A_281 : vector<16xi1>, vector<16xi32>
    %broadcast_in_dim3A_289 = vector.shape_cast %select_n3A_288 : vector<16xi32> to vector<16x1xi32>
    %gather3A_290 = vector.shape_cast %broadcast_in_dim3A_289 : vector<16x1xi32> to vector<16xi32>
    %gather3A_291 = tpu.dynamic_gather %scan3A_263#1[%gather3A_290] in [0] : vector<16xf32>, vector<16xi32> -> vector<16xf32>
    %add3A_292 = arith.addf %scan3A_263#1, %gather3A_291 : vector<16xf32>
    %xor3A_293 = arith.constant 1 : i32
    %xor3A_294 = vector.broadcast %xor3A_293 : i32 to vector<16xi32>
    %xor3A_295 = arith.xori %iota3A, %xor3A_294 : vector<16xi32>
    %lt3A_296 = arith.constant 0 : i32
    %lt3A_297 = vector.broadcast %lt3A_296 : i32 to vector<16xi32>
    %lt3A_298 = arith.cmpi slt, %xor3A_295, %lt3A_297 : vector<16xi32>
    %add3A_299 = arith.constant 16 : i32
    %add3A_300 = vector.broadcast %add3A_299 : i32 to vector<16xi32>
    %add3A_301 = arith.addi %xor3A_295, %add3A_300 : vector<16xi32>
    %select_n3A_302 = arith.select %lt3A_298, %add3A_301, %xor3A_295 : vector<16xi1>, vector<16xi32>
    %broadcast_in_dim3A_303 = vector.shape_cast %select_n3A_302 : vector<16xi32> to vector<16x1xi32>
    %gather3A_304 = vector.shape_cast %broadcast_in_dim3A_303 : vector<16x1xi32> to vector<16xi32>
    %gather3A_305 = tpu.dynamic_gather %scan3A_263#2[%gather3A_304] in [0] : vector<16xf32>, vector<16xi32> -> vector<16xf32>
    %add3A_306 = arith.addf %scan3A_263#2, %gather3A_305 : vector<16xf32>
    %xor3A_307 = arith.constant 2 : i32
    %xor3A_308 = vector.broadcast %xor3A_307 : i32 to vector<16xi32>
    %xor3A_309 = arith.xori %iota3A, %xor3A_308 : vector<16xi32>
    %lt3A_310 = arith.constant 0 : i32
    %lt3A_311 = vector.broadcast %lt3A_310 : i32 to vector<16xi32>
    %lt3A_312 = arith.cmpi slt, %xor3A_309, %lt3A_311 : vector<16xi32>
    %add3A_313 = arith.constant 16 : i32
    %add3A_314 = vector.broadcast %add3A_313 : i32 to vector<16xi32>
    %add3A_315 = arith.addi %xor3A_309, %add3A_314 : vector<16xi32>
    %select_n3A_316 = arith.select %lt3A_312, %add3A_315, %xor3A_309 : vector<16xi1>, vector<16xi32>
    %broadcast_in_dim3A_317 = vector.shape_cast %select_n3A_316 : vector<16xi32> to vector<16x1xi32>
    %gather3A_318 = vector.shape_cast %broadcast_in_dim3A_317 : vector<16x1xi32> to vector<16xi32>
    %gather3A_319 = tpu.dynamic_gather %max3A_278[%gather3A_318] in [0] : vector<16xf32>, vector<16xi32> -> vector<16xf32>
    %max3A_320 = arith.maximumf %max3A_278, %gather3A_319 : vector<16xf32>
    %xor3A_321 = arith.constant 2 : i32
    %xor3A_322 = vector.broadcast %xor3A_321 : i32 to vector<16xi32>
    %xor3A_323 = arith.xori %iota3A, %xor3A_322 : vector<16xi32>
    %lt3A_324 = arith.constant 0 : i32
    %lt3A_325 = vector.broadcast %lt3A_324 : i32 to vector<16xi32>
    %lt3A_326 = arith.cmpi slt, %xor3A_323, %lt3A_325 : vector<16xi32>
    %add3A_327 = arith.constant 16 : i32
    %add3A_328 = vector.broadcast %add3A_327 : i32 to vector<16xi32>
    %add3A_329 = arith.addi %xor3A_323, %add3A_328 : vector<16xi32>
    %select_n3A_330 = arith.select %lt3A_326, %add3A_329, %xor3A_323 : vector<16xi1>, vector<16xi32>
    %broadcast_in_dim3A_331 = vector.shape_cast %select_n3A_330 : vector<16xi32> to vector<16x1xi32>
    %gather3A_332 = vector.shape_cast %broadcast_in_dim3A_331 : vector<16x1xi32> to vector<16xi32>
    %gather3A_333 = tpu.dynamic_gather %add3A_292[%gather3A_332] in [0] : vector<16xf32>, vector<16xi32> -> vector<16xf32>
    %add3A_334 = arith.addf %add3A_292, %gather3A_333 : vector<16xf32>
    %xor3A_335 = arith.constant 2 : i32
    %xor3A_336 = vector.broadcast %xor3A_335 : i32 to vector<16xi32>
    %xor3A_337 = arith.xori %iota3A, %xor3A_336 : vector<16xi32>
    %lt3A_338 = arith.constant 0 : i32
    %lt3A_339 = vector.broadcast %lt3A_338 : i32 to vector<16xi32>
    %lt3A_340 = arith.cmpi slt, %xor3A_337, %lt3A_339 : vector<16xi32>
    %add3A_341 = arith.constant 16 : i32
    %add3A_342 = vector.broadcast %add3A_341 : i32 to vector<16xi32>
    %add3A_343 = arith.addi %xor3A_337, %add3A_342 : vector<16xi32>
    %select_n3A_344 = arith.select %lt3A_340, %add3A_343, %xor3A_337 : vector<16xi1>, vector<16xi32>
    %broadcast_in_dim3A_345 = vector.shape_cast %select_n3A_344 : vector<16xi32> to vector<16x1xi32>
    %gather3A_346 = vector.shape_cast %broadcast_in_dim3A_345 : vector<16x1xi32> to vector<16xi32>
    %gather3A_347 = tpu.dynamic_gather %add3A_306[%gather3A_346] in [0] : vector<16xf32>, vector<16xi32> -> vector<16xf32>
    %add3A_348 = arith.addf %add3A_306, %gather3A_347 : vector<16xf32>
    %xor3A_349 = arith.constant 4 : i32
    %xor3A_350 = vector.broadcast %xor3A_349 : i32 to vector<16xi32>
    %xor3A_351 = arith.xori %iota3A, %xor3A_350 : vector<16xi32>
    %lt3A_352 = arith.constant 0 : i32
    %lt3A_353 = vector.broadcast %lt3A_352 : i32 to vector<16xi32>
    %lt3A_354 = arith.cmpi slt, %xor3A_351, %lt3A_353 : vector<16xi32>
    %add3A_355 = arith.constant 16 : i32
    %add3A_356 = vector.broadcast %add3A_355 : i32 to vector<16xi32>
    %add3A_357 = arith.addi %xor3A_351, %add3A_356 : vector<16xi32>
    %select_n3A_358 = arith.select %lt3A_354, %add3A_357, %xor3A_351 : vector<16xi1>, vector<16xi32>
    %broadcast_in_dim3A_359 = vector.shape_cast %select_n3A_358 : vector<16xi32> to vector<16x1xi32>
    %gather3A_360 = vector.shape_cast %broadcast_in_dim3A_359 : vector<16x1xi32> to vector<16xi32>
    %gather3A_361 = tpu.dynamic_gather %max3A_320[%gather3A_360] in [0] : vector<16xf32>, vector<16xi32> -> vector<16xf32>
    %max3A_362 = arith.maximumf %max3A_320, %gather3A_361 : vector<16xf32>
    %xor3A_363 = arith.constant 4 : i32
    %xor3A_364 = vector.broadcast %xor3A_363 : i32 to vector<16xi32>
    %xor3A_365 = arith.xori %iota3A, %xor3A_364 : vector<16xi32>
    %lt3A_366 = arith.constant 0 : i32
    %lt3A_367 = vector.broadcast %lt3A_366 : i32 to vector<16xi32>
    %lt3A_368 = arith.cmpi slt, %xor3A_365, %lt3A_367 : vector<16xi32>
    %add3A_369 = arith.constant 16 : i32
    %add3A_370 = vector.broadcast %add3A_369 : i32 to vector<16xi32>
    %add3A_371 = arith.addi %xor3A_365, %add3A_370 : vector<16xi32>
    %select_n3A_372 = arith.select %lt3A_368, %add3A_371, %xor3A_365 : vector<16xi1>, vector<16xi32>
    %broadcast_in_dim3A_373 = vector.shape_cast %select_n3A_372 : vector<16xi32> to vector<16x1xi32>
    %gather3A_374 = vector.shape_cast %broadcast_in_dim3A_373 : vector<16x1xi32> to vector<16xi32>
    %gather3A_375 = tpu.dynamic_gather %add3A_334[%gather3A_374] in [0] : vector<16xf32>, vector<16xi32> -> vector<16xf32>
    %add3A_376 = arith.addf %add3A_334, %gather3A_375 : vector<16xf32>
    %xor3A_377 = arith.constant 4 : i32
    %xor3A_378 = vector.broadcast %xor3A_377 : i32 to vector<16xi32>
    %xor3A_379 = arith.xori %iota3A, %xor3A_378 : vector<16xi32>
    %lt3A_380 = arith.constant 0 : i32
    %lt3A_381 = vector.broadcast %lt3A_380 : i32 to vector<16xi32>
    %lt3A_382 = arith.cmpi slt, %xor3A_379, %lt3A_381 : vector<16xi32>
    %add3A_383 = arith.constant 16 : i32
    %add3A_384 = vector.broadcast %add3A_383 : i32 to vector<16xi32>
    %add3A_385 = arith.addi %xor3A_379, %add3A_384 : vector<16xi32>
    %select_n3A_386 = arith.select %lt3A_382, %add3A_385, %xor3A_379 : vector<16xi1>, vector<16xi32>
    %broadcast_in_dim3A_387 = vector.shape_cast %select_n3A_386 : vector<16xi32> to vector<16x1xi32>
    %gather3A_388 = vector.shape_cast %broadcast_in_dim3A_387 : vector<16x1xi32> to vector<16xi32>
    %gather3A_389 = tpu.dynamic_gather %add3A_348[%gather3A_388] in [0] : vector<16xf32>, vector<16xi32> -> vector<16xf32>
    %add3A_390 = arith.addf %add3A_348, %gather3A_389 : vector<16xf32>
    %xor3A_391 = arith.constant 8 : i32
    %xor3A_392 = vector.broadcast %xor3A_391 : i32 to vector<16xi32>
    %xor3A_393 = arith.xori %iota3A, %xor3A_392 : vector<16xi32>
    %lt3A_394 = arith.constant 0 : i32
    %lt3A_395 = vector.broadcast %lt3A_394 : i32 to vector<16xi32>
    %lt3A_396 = arith.cmpi slt, %xor3A_393, %lt3A_395 : vector<16xi32>
    %add3A_397 = arith.constant 16 : i32
    %add3A_398 = vector.broadcast %add3A_397 : i32 to vector<16xi32>
    %add3A_399 = arith.addi %xor3A_393, %add3A_398 : vector<16xi32>
    %select_n3A_400 = arith.select %lt3A_396, %add3A_399, %xor3A_393 : vector<16xi1>, vector<16xi32>
    %broadcast_in_dim3A_401 = vector.shape_cast %select_n3A_400 : vector<16xi32> to vector<16x1xi32>
    %gather3A_402 = vector.shape_cast %broadcast_in_dim3A_401 : vector<16x1xi32> to vector<16xi32>
    %gather3A_403 = tpu.dynamic_gather %max3A_362[%gather3A_402] in [0] : vector<16xf32>, vector<16xi32> -> vector<16xf32>
    %max3A_404 = arith.maximumf %max3A_362, %gather3A_403 : vector<16xf32>
    %xor3A_405 = arith.constant 8 : i32
    %xor3A_406 = vector.broadcast %xor3A_405 : i32 to vector<16xi32>
    %xor3A_407 = arith.xori %iota3A, %xor3A_406 : vector<16xi32>
    %lt3A_408 = arith.constant 0 : i32
    %lt3A_409 = vector.broadcast %lt3A_408 : i32 to vector<16xi32>
    %lt3A_410 = arith.cmpi slt, %xor3A_407, %lt3A_409 : vector<16xi32>
    %add3A_411 = arith.constant 16 : i32
    %add3A_412 = vector.broadcast %add3A_411 : i32 to vector<16xi32>
    %add3A_413 = arith.addi %xor3A_407, %add3A_412 : vector<16xi32>
    %select_n3A_414 = arith.select %lt3A_410, %add3A_413, %xor3A_407 : vector<16xi1>, vector<16xi32>
    %broadcast_in_dim3A_415 = vector.shape_cast %select_n3A_414 : vector<16xi32> to vector<16x1xi32>
    %gather3A_416 = vector.shape_cast %broadcast_in_dim3A_415 : vector<16x1xi32> to vector<16xi32>
    %gather3A_417 = tpu.dynamic_gather %add3A_376[%gather3A_416] in [0] : vector<16xf32>, vector<16xi32> -> vector<16xf32>
    %add3A_418 = arith.addf %add3A_376, %gather3A_417 : vector<16xf32>
    %xor3A_419 = arith.constant 8 : i32
    %xor3A_420 = vector.broadcast %xor3A_419 : i32 to vector<16xi32>
    %xor3A_421 = arith.xori %iota3A, %xor3A_420 : vector<16xi32>
    %lt3A_422 = arith.constant 0 : i32
    %lt3A_423 = vector.broadcast %lt3A_422 : i32 to vector<16xi32>
    %lt3A_424 = arith.cmpi slt, %xor3A_421, %lt3A_423 : vector<16xi32>
    %add3A_425 = arith.constant 16 : i32
    %add3A_426 = vector.broadcast %add3A_425 : i32 to vector<16xi32>
    %add3A_427 = arith.addi %xor3A_421, %add3A_426 : vector<16xi32>
    %select_n3A_428 = arith.select %lt3A_424, %add3A_427, %xor3A_421 : vector<16xi1>, vector<16xi32>
    %broadcast_in_dim3A_429 = vector.shape_cast %select_n3A_428 : vector<16xi32> to vector<16x1xi32>
    %gather3A_430 = vector.shape_cast %broadcast_in_dim3A_429 : vector<16x1xi32> to vector<16xi32>
    %gather3A_431 = tpu.dynamic_gather %add3A_390[%gather3A_430] in [0] : vector<16xf32>, vector<16xi32> -> vector<16xf32>
    %add3A_432 = arith.addf %add3A_390, %gather3A_431 : vector<16xf32>
    %broadcast_in_dim3A_433 = arith.constant 0x7F800000 : f32
    %broadcast_in_dim3A_434 = vector.broadcast %broadcast_in_dim3A_433 : f32 to vector<16xf32>
    %scan3A_435 = arith.constant 0 : i32
    %scan3A_436 = arith.constant 64 : i32
    %scan3A_437 = arith.addi %scan3A_435, %scan3A_436 : i32
    %scan3A_438 = arith.constant 1 : i32
    %scan3A_439 = scf.for %scan3A_1030 = %scan3A_435 to %scan3A_437 step %scan3A_438 iter_args(%scan3A_1031 = %broadcast_in_dim3A_434) -> (vector<16xf32>)  : i32 {
      %mul3A_1032 = arith.constant 16 : i32
      %mul3A_1033 = arith.muli %scan3A_1030, %mul3A_1032 : i32
      %get3A = arith.index_cast %mul3A_1033 : i32 to index
      %get3A_1034 = tpu.vector_load %arg6[%get3A] {strides = array<i32>} : memref<1024xf32, #tpu.memory_space<vmem>>, vector<16xf32>,
      %get3A_1035 = vector.shape_cast %get3A_1034 : vector<16xf32> to vector<16xf32>
      %mul3A_1036 = arith.constant 16 : i32
      %mul3A_1037 = arith.muli %scan3A_1030, %mul3A_1036 : i32
      %get3A_1038 = arith.index_cast %mul3A_1037 : i32 to index
      %get3A_1039 = tpu.vector_load %arg7[%get3A_1038] {strides = array<i32>} : memref<1024xf32, #tpu.memory_space<vmem>>, vector<16xf32>,
      %get3A_1040 = vector.shape_cast %get3A_1039 : vector<16xf32> to vector<16xf32>
      %mul3A_1041 = arith.constant 16 : i32
      %mul3A_1042 = arith.muli %scan3A_1030, %mul3A_1041 : i32
      %get3A_1043 = arith.index_cast %mul3A_1042 : i32 to index
      %get3A_1044 = tpu.vector_load %arg8[%get3A_1043] {strides = array<i32>} : memref<1024xf32, #tpu.memory_space<vmem>>, vector<16xf32>,
      %get3A_1045 = vector.shape_cast %get3A_1044 : vector<16xf32> to vector<16xf32>
      %eq3A = arith.cmpf oeq, %get3A_1040, %convert_element_type3A_252 : vector<16xf32>
      %eq3A_1046 = arith.cmpf oeq, %get3A_1045, %max3A_404 : vector<16xf32>
      %and3A = arith.andi %eq3A, %eq3A_1046 : vector<16xi1>
      %jit3A_1047 = arith.constant 0x7F800000 : f32
      %broadcast_in_dim3A_1048 = vector.broadcast %jit3A_1047 : f32 to vector<16xf32>
      %select_n3A_1049 = arith.select %and3A, %get3A_1035, %broadcast_in_dim3A_1048 : vector<16xi1>, vector<16xf32>
      %min3A_1050 = arith.minimumf %scan3A_1031, %select_n3A_1049 : vector<16xf32>
      scf.yield %min3A_1050 : vector<16xf32>
    }
    %scan3A_440 = arith.constant 64 : i32
    %xor3A_441 = arith.constant 1 : i32
    %xor3A_442 = vector.broadcast %xor3A_441 : i32 to vector<16xi32>
    %xor3A_443 = arith.xori %iota3A, %xor3A_442 : vector<16xi32>
    %lt3A_444 = arith.constant 0 : i32
    %lt3A_445 = vector.broadcast %lt3A_444 : i32 to vector<16xi32>
    %lt3A_446 = arith.cmpi slt, %xor3A_443, %lt3A_445 : vector<16xi32>
    %add3A_447 = arith.constant 16 : i32
    %add3A_448 = vector.broadcast %add3A_447 : i32 to vector<16xi32>
    %add3A_449 = arith.addi %xor3A_443, %add3A_448 : vector<16xi32>
    %select_n3A_450 = arith.select %lt3A_446, %add3A_449, %xor3A_443 : vector<16xi1>, vector<16xi32>
    %broadcast_in_dim3A_451 = vector.shape_cast %select_n3A_450 : vector<16xi32> to vector<16x1xi32>
    %gather3A_452 = vector.shape_cast %broadcast_in_dim3A_451 : vector<16x1xi32> to vector<16xi32>
    %gather3A_453 = tpu.dynamic_gather %scan3A_439[%gather3A_452] in [0] : vector<16xf32>, vector<16xi32> -> vector<16xf32>
    %min3A_454 = arith.minimumf %scan3A_439, %gather3A_453 : vector<16xf32>
    %xor3A_455 = arith.constant 2 : i32
    %xor3A_456 = vector.broadcast %xor3A_455 : i32 to vector<16xi32>
    %xor3A_457 = arith.xori %iota3A, %xor3A_456 : vector<16xi32>
    %lt3A_458 = arith.constant 0 : i32
    %lt3A_459 = vector.broadcast %lt3A_458 : i32 to vector<16xi32>
    %lt3A_460 = arith.cmpi slt, %xor3A_457, %lt3A_459 : vector<16xi32>
    %add3A_461 = arith.constant 16 : i32
    %add3A_462 = vector.broadcast %add3A_461 : i32 to vector<16xi32>
    %add3A_463 = arith.addi %xor3A_457, %add3A_462 : vector<16xi32>
    %select_n3A_464 = arith.select %lt3A_460, %add3A_463, %xor3A_457 : vector<16xi1>, vector<16xi32>
    %broadcast_in_dim3A_465 = vector.shape_cast %select_n3A_464 : vector<16xi32> to vector<16x1xi32>
    %gather3A_466 = vector.shape_cast %broadcast_in_dim3A_465 : vector<16x1xi32> to vector<16xi32>
    %gather3A_467 = tpu.dynamic_gather %min3A_454[%gather3A_466] in [0] : vector<16xf32>, vector<16xi32> -> vector<16xf32>
    %min3A_468 = arith.minimumf %min3A_454, %gather3A_467 : vector<16xf32>
    %xor3A_469 = arith.constant 4 : i32
    %xor3A_470 = vector.broadcast %xor3A_469 : i32 to vector<16xi32>
    %xor3A_471 = arith.xori %iota3A, %xor3A_470 : vector<16xi32>
    %lt3A_472 = arith.constant 0 : i32
    %lt3A_473 = vector.broadcast %lt3A_472 : i32 to vector<16xi32>
    %lt3A_474 = arith.cmpi slt, %xor3A_471, %lt3A_473 : vector<16xi32>
    %add3A_475 = arith.constant 16 : i32
    %add3A_476 = vector.broadcast %add3A_475 : i32 to vector<16xi32>
    %add3A_477 = arith.addi %xor3A_471, %add3A_476 : vector<16xi32>
    %select_n3A_478 = arith.select %lt3A_474, %add3A_477, %xor3A_471 : vector<16xi1>, vector<16xi32>
    %broadcast_in_dim3A_479 = vector.shape_cast %select_n3A_478 : vector<16xi32> to vector<16x1xi32>
    %gather3A_480 = vector.shape_cast %broadcast_in_dim3A_479 : vector<16x1xi32> to vector<16xi32>
    %gather3A_481 = tpu.dynamic_gather %min3A_468[%gather3A_480] in [0] : vector<16xf32>, vector<16xi32> -> vector<16xf32>
    %min3A_482 = arith.minimumf %min3A_468, %gather3A_481 : vector<16xf32>
    %xor3A_483 = arith.constant 8 : i32
    %xor3A_484 = vector.broadcast %xor3A_483 : i32 to vector<16xi32>
    %xor3A_485 = arith.xori %iota3A, %xor3A_484 : vector<16xi32>
    %lt3A_486 = arith.constant 0 : i32
    %lt3A_487 = vector.broadcast %lt3A_486 : i32 to vector<16xi32>
    %lt3A_488 = arith.cmpi slt, %xor3A_485, %lt3A_487 : vector<16xi32>
    %add3A_489 = arith.constant 16 : i32
    %add3A_490 = vector.broadcast %add3A_489 : i32 to vector<16xi32>
    %add3A_491 = arith.addi %xor3A_485, %add3A_490 : vector<16xi32>
    %select_n3A_492 = arith.select %lt3A_488, %add3A_491, %xor3A_485 : vector<16xi1>, vector<16xi32>
    %broadcast_in_dim3A_493 = vector.shape_cast %select_n3A_492 : vector<16xi32> to vector<16x1xi32>
    %gather3A_494 = vector.shape_cast %broadcast_in_dim3A_493 : vector<16x1xi32> to vector<16xi32>
    %gather3A_495 = tpu.dynamic_gather %min3A_482[%gather3A_494] in [0] : vector<16xf32>, vector<16xi32> -> vector<16xf32>
    %min3A_496 = arith.minimumf %min3A_482, %gather3A_495 : vector<16xf32>
    %gt3A_497 = arith.constant 0.000000e+00 : f32
    %gt3A_498 = vector.broadcast %gt3A_497 : f32 to vector<16xf32>
    %gt3A_499 = arith.cmpf ogt, %add3A_432, %gt3A_498 : vector<16xf32>
    %mul3A_500 = arith.mulf %add3A_432, %min3A_496 : vector<16xf32>
    %sub3A_501 = arith.subf %add3A_418, %mul3A_500 : vector<16xf32>
    %jit3A_502 = arith.constant 0.000000e+00 : f32
    %broadcast_in_dim3A_503 = vector.broadcast %jit3A_502 : f32 to vector<16xf32>
    %select_n3A_504 = arith.select %gt3A_499, %sub3A_501, %broadcast_in_dim3A_503 : vector<16xi1>, vector<16xf32>
    %add3A_505 = arith.addf %add3A_246, %select_n3A_504 : vector<16xf32>
    %mul3A_506 = arith.constant 4 : i32
    %mul3A_507 = arith.muli %arg0, %mul3A_506 : i32
    %add3A_508 = arith.constant 2 : i32
    %add3A_509 = arith.addi %mul3A_507, %add3A_508 : i32
    %broadcast_in_dim3A_510 = vector.broadcast %add3A_509 : i32 to vector<16xi32>
    %convert_element_type3A_511 = arith.sitofp %broadcast_in_dim3A_510 : vector<16xi32> to vector<16xf32>
    %broadcast_in_dim3A_512 = arith.constant -1.000000e+00 : f32
    %broadcast_in_dim3A_513 = vector.broadcast %broadcast_in_dim3A_512 : f32 to vector<16xf32>
    %broadcast_in_dim3A_514 = arith.constant 0.000000e+00 : f32
    %broadcast_in_dim3A_515 = vector.broadcast %broadcast_in_dim3A_514 : f32 to vector<16xf32>
    %broadcast_in_dim3A_516 = arith.constant 0.000000e+00 : f32
    %broadcast_in_dim3A_517 = vector.broadcast %broadcast_in_dim3A_516 : f32 to vector<16xf32>
    %scan3A_518 = arith.constant 0 : i32
    %scan3A_519 = arith.constant 64 : i32
    %scan3A_520 = arith.addi %scan3A_518, %scan3A_519 : i32
    %scan3A_521 = arith.constant 1 : i32
    %scan3A_522:3 = scf.for %scan3A_1030 = %scan3A_518 to %scan3A_520 step %scan3A_521 iter_args(%scan3A_1031 = %broadcast_in_dim3A_513, %scan3A_1032 = %broadcast_in_dim3A_515, %scan3A_1033 = %broadcast_in_dim3A_517) -> (vector<16xf32>, vector<16xf32>, vector<16xf32>)  : i32 {
      %mul3A_1034 = arith.constant 16 : i32
      %mul3A_1035 = arith.muli %scan3A_1030, %mul3A_1034 : i32
      %get3A = arith.index_cast %mul3A_1035 : i32 to index
      %get3A_1036 = tpu.vector_load %arg6[%get3A] {strides = array<i32>} : memref<1024xf32, #tpu.memory_space<vmem>>, vector<16xf32>,
      %get3A_1037 = vector.shape_cast %get3A_1036 : vector<16xf32> to vector<16xf32>
      %mul3A_1038 = arith.constant 16 : i32
      %mul3A_1039 = arith.muli %scan3A_1030, %mul3A_1038 : i32
      %get3A_1040 = arith.index_cast %mul3A_1039 : i32 to index
      %get3A_1041 = tpu.vector_load %arg7[%get3A_1040] {strides = array<i32>} : memref<1024xf32, #tpu.memory_space<vmem>>, vector<16xf32>,
      %get3A_1042 = vector.shape_cast %get3A_1041 : vector<16xf32> to vector<16xf32>
      %mul3A_1043 = arith.constant 16 : i32
      %mul3A_1044 = arith.muli %scan3A_1030, %mul3A_1043 : i32
      %get3A_1045 = arith.index_cast %mul3A_1044 : i32 to index
      %get3A_1046 = tpu.vector_load %arg8[%get3A_1045] {strides = array<i32>} : memref<1024xf32, #tpu.memory_space<vmem>>, vector<16xf32>,
      %get3A_1047 = vector.shape_cast %get3A_1046 : vector<16xf32> to vector<16xf32>
      %eq3A = arith.cmpf oeq, %get3A_1042, %convert_element_type3A_511 : vector<16xf32>
      %jit3A_1048 = arith.constant -1.000000e+00 : f32
      %broadcast_in_dim3A_1049 = vector.broadcast %jit3A_1048 : f32 to vector<16xf32>
      %select_n3A_1050 = arith.select %eq3A, %get3A_1047, %broadcast_in_dim3A_1049 : vector<16xi1>, vector<16xf32>
      %max3A_1051 = arith.maximumf %scan3A_1031, %select_n3A_1050 : vector<16xf32>
      %jit3A_1052 = arith.constant 0.000000e+00 : f32
      %broadcast_in_dim3A_1053 = vector.broadcast %jit3A_1052 : f32 to vector<16xf32>
      %select_n3A_1054 = arith.select %eq3A, %get3A_1037, %broadcast_in_dim3A_1053 : vector<16xi1>, vector<16xf32>
      %add3A_1055 = arith.addf %scan3A_1032, %select_n3A_1054 : vector<16xf32>
      %jit3A_1056 = arith.constant 1.000000e+00 : f32
      %jit3A_1057 = arith.constant 0.000000e+00 : f32
      %broadcast_in_dim3A_1058 = vector.broadcast %jit3A_1056 : f32 to vector<16xf32>
      %broadcast_in_dim3A_1059 = vector.broadcast %jit3A_1057 : f32 to vector<16xf32>
      %select_n3A_1060 = arith.select %eq3A, %broadcast_in_dim3A_1058, %broadcast_in_dim3A_1059 : vector<16xi1>, vector<16xf32>
      %add3A_1061 = arith.addf %scan3A_1033, %select_n3A_1060 : vector<16xf32>
      scf.yield %max3A_1051, %add3A_1055, %add3A_1061 : vector<16xf32>, vector<16xf32>, vector<16xf32>
    }
    %scan3A_523 = arith.constant 64 : i32
    %xor3A_524 = arith.constant 1 : i32
    %xor3A_525 = vector.broadcast %xor3A_524 : i32 to vector<16xi32>
    %xor3A_526 = arith.xori %iota3A, %xor3A_525 : vector<16xi32>
    %lt3A_527 = arith.constant 0 : i32
    %lt3A_528 = vector.broadcast %lt3A_527 : i32 to vector<16xi32>
    %lt3A_529 = arith.cmpi slt, %xor3A_526, %lt3A_528 : vector<16xi32>
    %add3A_530 = arith.constant 16 : i32
    %add3A_531 = vector.broadcast %add3A_530 : i32 to vector<16xi32>
    %add3A_532 = arith.addi %xor3A_526, %add3A_531 : vector<16xi32>
    %select_n3A_533 = arith.select %lt3A_529, %add3A_532, %xor3A_526 : vector<16xi1>, vector<16xi32>
    %broadcast_in_dim3A_534 = vector.shape_cast %select_n3A_533 : vector<16xi32> to vector<16x1xi32>
    %gather3A_535 = vector.shape_cast %broadcast_in_dim3A_534 : vector<16x1xi32> to vector<16xi32>
    %gather3A_536 = tpu.dynamic_gather %scan3A_522#0[%gather3A_535] in [0] : vector<16xf32>, vector<16xi32> -> vector<16xf32>
    %max3A_537 = arith.maximumf %scan3A_522#0, %gather3A_536 : vector<16xf32>
    %xor3A_538 = arith.constant 1 : i32
    %xor3A_539 = vector.broadcast %xor3A_538 : i32 to vector<16xi32>
    %xor3A_540 = arith.xori %iota3A, %xor3A_539 : vector<16xi32>
    %lt3A_541 = arith.constant 0 : i32
    %lt3A_542 = vector.broadcast %lt3A_541 : i32 to vector<16xi32>
    %lt3A_543 = arith.cmpi slt, %xor3A_540, %lt3A_542 : vector<16xi32>
    %add3A_544 = arith.constant 16 : i32
    %add3A_545 = vector.broadcast %add3A_544 : i32 to vector<16xi32>
    %add3A_546 = arith.addi %xor3A_540, %add3A_545 : vector<16xi32>
    %select_n3A_547 = arith.select %lt3A_543, %add3A_546, %xor3A_540 : vector<16xi1>, vector<16xi32>
    %broadcast_in_dim3A_548 = vector.shape_cast %select_n3A_547 : vector<16xi32> to vector<16x1xi32>
    %gather3A_549 = vector.shape_cast %broadcast_in_dim3A_548 : vector<16x1xi32> to vector<16xi32>
    %gather3A_550 = tpu.dynamic_gather %scan3A_522#1[%gather3A_549] in [0] : vector<16xf32>, vector<16xi32> -> vector<16xf32>
    %add3A_551 = arith.addf %scan3A_522#1, %gather3A_550 : vector<16xf32>
    %xor3A_552 = arith.constant 1 : i32
    %xor3A_553 = vector.broadcast %xor3A_552 : i32 to vector<16xi32>
    %xor3A_554 = arith.xori %iota3A, %xor3A_553 : vector<16xi32>
    %lt3A_555 = arith.constant 0 : i32
    %lt3A_556 = vector.broadcast %lt3A_555 : i32 to vector<16xi32>
    %lt3A_557 = arith.cmpi slt, %xor3A_554, %lt3A_556 : vector<16xi32>
    %add3A_558 = arith.constant 16 : i32
    %add3A_559 = vector.broadcast %add3A_558 : i32 to vector<16xi32>
    %add3A_560 = arith.addi %xor3A_554, %add3A_559 : vector<16xi32>
    %select_n3A_561 = arith.select %lt3A_557, %add3A_560, %xor3A_554 : vector<16xi1>, vector<16xi32>
    %broadcast_in_dim3A_562 = vector.shape_cast %select_n3A_561 : vector<16xi32> to vector<16x1xi32>
    %gather3A_563 = vector.shape_cast %broadcast_in_dim3A_562 : vector<16x1xi32> to vector<16xi32>
    %gather3A_564 = tpu.dynamic_gather %scan3A_522#2[%gather3A_563] in [0] : vector<16xf32>, vector<16xi32> -> vector<16xf32>
    %add3A_565 = arith.addf %scan3A_522#2, %gather3A_564 : vector<16xf32>
    %xor3A_566 = arith.constant 2 : i32
    %xor3A_567 = vector.broadcast %xor3A_566 : i32 to vector<16xi32>
    %xor3A_568 = arith.xori %iota3A, %xor3A_567 : vector<16xi32>
    %lt3A_569 = arith.constant 0 : i32
    %lt3A_570 = vector.broadcast %lt3A_569 : i32 to vector<16xi32>
    %lt3A_571 = arith.cmpi slt, %xor3A_568, %lt3A_570 : vector<16xi32>
    %add3A_572 = arith.constant 16 : i32
    %add3A_573 = vector.broadcast %add3A_572 : i32 to vector<16xi32>
    %add3A_574 = arith.addi %xor3A_568, %add3A_573 : vector<16xi32>
    %select_n3A_575 = arith.select %lt3A_571, %add3A_574, %xor3A_568 : vector<16xi1>, vector<16xi32>
    %broadcast_in_dim3A_576 = vector.shape_cast %select_n3A_575 : vector<16xi32> to vector<16x1xi32>
    %gather3A_577 = vector.shape_cast %broadcast_in_dim3A_576 : vector<16x1xi32> to vector<16xi32>
    %gather3A_578 = tpu.dynamic_gather %max3A_537[%gather3A_577] in [0] : vector<16xf32>, vector<16xi32> -> vector<16xf32>
    %max3A_579 = arith.maximumf %max3A_537, %gather3A_578 : vector<16xf32>
    %xor3A_580 = arith.constant 2 : i32
    %xor3A_581 = vector.broadcast %xor3A_580 : i32 to vector<16xi32>
    %xor3A_582 = arith.xori %iota3A, %xor3A_581 : vector<16xi32>
    %lt3A_583 = arith.constant 0 : i32
    %lt3A_584 = vector.broadcast %lt3A_583 : i32 to vector<16xi32>
    %lt3A_585 = arith.cmpi slt, %xor3A_582, %lt3A_584 : vector<16xi32>
    %add3A_586 = arith.constant 16 : i32
    %add3A_587 = vector.broadcast %add3A_586 : i32 to vector<16xi32>
    %add3A_588 = arith.addi %xor3A_582, %add3A_587 : vector<16xi32>
    %select_n3A_589 = arith.select %lt3A_585, %add3A_588, %xor3A_582 : vector<16xi1>, vector<16xi32>
    %broadcast_in_dim3A_590 = vector.shape_cast %select_n3A_589 : vector<16xi32> to vector<16x1xi32>
    %gather3A_591 = vector.shape_cast %broadcast_in_dim3A_590 : vector<16x1xi32> to vector<16xi32>
    %gather3A_592 = tpu.dynamic_gather %add3A_551[%gather3A_591] in [0] : vector<16xf32>, vector<16xi32> -> vector<16xf32>
    %add3A_593 = arith.addf %add3A_551, %gather3A_592 : vector<16xf32>
    %xor3A_594 = arith.constant 2 : i32
    %xor3A_595 = vector.broadcast %xor3A_594 : i32 to vector<16xi32>
    %xor3A_596 = arith.xori %iota3A, %xor3A_595 : vector<16xi32>
    %lt3A_597 = arith.constant 0 : i32
    %lt3A_598 = vector.broadcast %lt3A_597 : i32 to vector<16xi32>
    %lt3A_599 = arith.cmpi slt, %xor3A_596, %lt3A_598 : vector<16xi32>
    %add3A_600 = arith.constant 16 : i32
    %add3A_601 = vector.broadcast %add3A_600 : i32 to vector<16xi32>
    %add3A_602 = arith.addi %xor3A_596, %add3A_601 : vector<16xi32>
    %select_n3A_603 = arith.select %lt3A_599, %add3A_602, %xor3A_596 : vector<16xi1>, vector<16xi32>
    %broadcast_in_dim3A_604 = vector.shape_cast %select_n3A_603 : vector<16xi32> to vector<16x1xi32>
    %gather3A_605 = vector.shape_cast %broadcast_in_dim3A_604 : vector<16x1xi32> to vector<16xi32>
    %gather3A_606 = tpu.dynamic_gather %add3A_565[%gather3A_605] in [0] : vector<16xf32>, vector<16xi32> -> vector<16xf32>
    %add3A_607 = arith.addf %add3A_565, %gather3A_606 : vector<16xf32>
    %xor3A_608 = arith.constant 4 : i32
    %xor3A_609 = vector.broadcast %xor3A_608 : i32 to vector<16xi32>
    %xor3A_610 = arith.xori %iota3A, %xor3A_609 : vector<16xi32>
    %lt3A_611 = arith.constant 0 : i32
    %lt3A_612 = vector.broadcast %lt3A_611 : i32 to vector<16xi32>
    %lt3A_613 = arith.cmpi slt, %xor3A_610, %lt3A_612 : vector<16xi32>
    %add3A_614 = arith.constant 16 : i32
    %add3A_615 = vector.broadcast %add3A_614 : i32 to vector<16xi32>
    %add3A_616 = arith.addi %xor3A_610, %add3A_615 : vector<16xi32>
    %select_n3A_617 = arith.select %lt3A_613, %add3A_616, %xor3A_610 : vector<16xi1>, vector<16xi32>
    %broadcast_in_dim3A_618 = vector.shape_cast %select_n3A_617 : vector<16xi32> to vector<16x1xi32>
    %gather3A_619 = vector.shape_cast %broadcast_in_dim3A_618 : vector<16x1xi32> to vector<16xi32>
    %gather3A_620 = tpu.dynamic_gather %max3A_579[%gather3A_619] in [0] : vector<16xf32>, vector<16xi32> -> vector<16xf32>
    %max3A_621 = arith.maximumf %max3A_579, %gather3A_620 : vector<16xf32>
    %xor3A_622 = arith.constant 4 : i32
    %xor3A_623 = vector.broadcast %xor3A_622 : i32 to vector<16xi32>
    %xor3A_624 = arith.xori %iota3A, %xor3A_623 : vector<16xi32>
    %lt3A_625 = arith.constant 0 : i32
    %lt3A_626 = vector.broadcast %lt3A_625 : i32 to vector<16xi32>
    %lt3A_627 = arith.cmpi slt, %xor3A_624, %lt3A_626 : vector<16xi32>
    %add3A_628 = arith.constant 16 : i32
    %add3A_629 = vector.broadcast %add3A_628 : i32 to vector<16xi32>
    %add3A_630 = arith.addi %xor3A_624, %add3A_629 : vector<16xi32>
    %select_n3A_631 = arith.select %lt3A_627, %add3A_630, %xor3A_624 : vector<16xi1>, vector<16xi32>
    %broadcast_in_dim3A_632 = vector.shape_cast %select_n3A_631 : vector<16xi32> to vector<16x1xi32>
    %gather3A_633 = vector.shape_cast %broadcast_in_dim3A_632 : vector<16x1xi32> to vector<16xi32>
    %gather3A_634 = tpu.dynamic_gather %add3A_593[%gather3A_633] in [0] : vector<16xf32>, vector<16xi32> -> vector<16xf32>
    %add3A_635 = arith.addf %add3A_593, %gather3A_634 : vector<16xf32>
    %xor3A_636 = arith.constant 4 : i32
    %xor3A_637 = vector.broadcast %xor3A_636 : i32 to vector<16xi32>
    %xor3A_638 = arith.xori %iota3A, %xor3A_637 : vector<16xi32>
    %lt3A_639 = arith.constant 0 : i32
    %lt3A_640 = vector.broadcast %lt3A_639 : i32 to vector<16xi32>
    %lt3A_641 = arith.cmpi slt, %xor3A_638, %lt3A_640 : vector<16xi32>
    %add3A_642 = arith.constant 16 : i32
    %add3A_643 = vector.broadcast %add3A_642 : i32 to vector<16xi32>
    %add3A_644 = arith.addi %xor3A_638, %add3A_643 : vector<16xi32>
    %select_n3A_645 = arith.select %lt3A_641, %add3A_644, %xor3A_638 : vector<16xi1>, vector<16xi32>
    %broadcast_in_dim3A_646 = vector.shape_cast %select_n3A_645 : vector<16xi32> to vector<16x1xi32>
    %gather3A_647 = vector.shape_cast %broadcast_in_dim3A_646 : vector<16x1xi32> to vector<16xi32>
    %gather3A_648 = tpu.dynamic_gather %add3A_607[%gather3A_647] in [0] : vector<16xf32>, vector<16xi32> -> vector<16xf32>
    %add3A_649 = arith.addf %add3A_607, %gather3A_648 : vector<16xf32>
    %xor3A_650 = arith.constant 8 : i32
    %xor3A_651 = vector.broadcast %xor3A_650 : i32 to vector<16xi32>
    %xor3A_652 = arith.xori %iota3A, %xor3A_651 : vector<16xi32>
    %lt3A_653 = arith.constant 0 : i32
    %lt3A_654 = vector.broadcast %lt3A_653 : i32 to vector<16xi32>
    %lt3A_655 = arith.cmpi slt, %xor3A_652, %lt3A_654 : vector<16xi32>
    %add3A_656 = arith.constant 16 : i32
    %add3A_657 = vector.broadcast %add3A_656 : i32 to vector<16xi32>
    %add3A_658 = arith.addi %xor3A_652, %add3A_657 : vector<16xi32>
    %select_n3A_659 = arith.select %lt3A_655, %add3A_658, %xor3A_652 : vector<16xi1>, vector<16xi32>
    %broadcast_in_dim3A_660 = vector.shape_cast %select_n3A_659 : vector<16xi32> to vector<16x1xi32>
    %gather3A_661 = vector.shape_cast %broadcast_in_dim3A_660 : vector<16x1xi32> to vector<16xi32>
    %gather3A_662 = tpu.dynamic_gather %max3A_621[%gather3A_661] in [0] : vector<16xf32>, vector<16xi32> -> vector<16xf32>
    %max3A_663 = arith.maximumf %max3A_621, %gather3A_662 : vector<16xf32>
    %xor3A_664 = arith.constant 8 : i32
    %xor3A_665 = vector.broadcast %xor3A_664 : i32 to vector<16xi32>
    %xor3A_666 = arith.xori %iota3A, %xor3A_665 : vector<16xi32>
    %lt3A_667 = arith.constant 0 : i32
    %lt3A_668 = vector.broadcast %lt3A_667 : i32 to vector<16xi32>
    %lt3A_669 = arith.cmpi slt, %xor3A_666, %lt3A_668 : vector<16xi32>
    %add3A_670 = arith.constant 16 : i32
    %add3A_671 = vector.broadcast %add3A_670 : i32 to vector<16xi32>
    %add3A_672 = arith.addi %xor3A_666, %add3A_671 : vector<16xi32>
    %select_n3A_673 = arith.select %lt3A_669, %add3A_672, %xor3A_666 : vector<16xi1>, vector<16xi32>
    %broadcast_in_dim3A_674 = vector.shape_cast %select_n3A_673 : vector<16xi32> to vector<16x1xi32>
    %gather3A_675 = vector.shape_cast %broadcast_in_dim3A_674 : vector<16x1xi32> to vector<16xi32>
    %gather3A_676 = tpu.dynamic_gather %add3A_635[%gather3A_675] in [0] : vector<16xf32>, vector<16xi32> -> vector<16xf32>
    %add3A_677 = arith.addf %add3A_635, %gather3A_676 : vector<16xf32>
    %xor3A_678 = arith.constant 8 : i32
    %xor3A_679 = vector.broadcast %xor3A_678 : i32 to vector<16xi32>
    %xor3A_680 = arith.xori %iota3A, %xor3A_679 : vector<16xi32>
    %lt3A_681 = arith.constant 0 : i32
    %lt3A_682 = vector.broadcast %lt3A_681 : i32 to vector<16xi32>
    %lt3A_683 = arith.cmpi slt, %xor3A_680, %lt3A_682 : vector<16xi32>
    %add3A_684 = arith.constant 16 : i32
    %add3A_685 = vector.broadcast %add3A_684 : i32 to vector<16xi32>
    %add3A_686 = arith.addi %xor3A_680, %add3A_685 : vector<16xi32>
    %select_n3A_687 = arith.select %lt3A_683, %add3A_686, %xor3A_680 : vector<16xi1>, vector<16xi32>
    %broadcast_in_dim3A_688 = vector.shape_cast %select_n3A_687 : vector<16xi32> to vector<16x1xi32>
    %gather3A_689 = vector.shape_cast %broadcast_in_dim3A_688 : vector<16x1xi32> to vector<16xi32>
    %gather3A_690 = tpu.dynamic_gather %add3A_649[%gather3A_689] in [0] : vector<16xf32>, vector<16xi32> -> vector<16xf32>
    %add3A_691 = arith.addf %add3A_649, %gather3A_690 : vector<16xf32>
    %broadcast_in_dim3A_692 = arith.constant 0x7F800000 : f32
    %broadcast_in_dim3A_693 = vector.broadcast %broadcast_in_dim3A_692 : f32 to vector<16xf32>
    %scan3A_694 = arith.constant 0 : i32
    %scan3A_695 = arith.constant 64 : i32
    %scan3A_696 = arith.addi %scan3A_694, %scan3A_695 : i32
    %scan3A_697 = arith.constant 1 : i32
    %scan3A_698 = scf.for %scan3A_1030 = %scan3A_694 to %scan3A_696 step %scan3A_697 iter_args(%scan3A_1031 = %broadcast_in_dim3A_693) -> (vector<16xf32>)  : i32 {
      %mul3A_1032 = arith.constant 16 : i32
      %mul3A_1033 = arith.muli %scan3A_1030, %mul3A_1032 : i32
      %get3A = arith.index_cast %mul3A_1033 : i32 to index
      %get3A_1034 = tpu.vector_load %arg6[%get3A] {strides = array<i32>} : memref<1024xf32, #tpu.memory_space<vmem>>, vector<16xf32>,
      %get3A_1035 = vector.shape_cast %get3A_1034 : vector<16xf32> to vector<16xf32>
      %mul3A_1036 = arith.constant 16 : i32
      %mul3A_1037 = arith.muli %scan3A_1030, %mul3A_1036 : i32
      %get3A_1038 = arith.index_cast %mul3A_1037 : i32 to index
      %get3A_1039 = tpu.vector_load %arg7[%get3A_1038] {strides = array<i32>} : memref<1024xf32, #tpu.memory_space<vmem>>, vector<16xf32>,
      %get3A_1040 = vector.shape_cast %get3A_1039 : vector<16xf32> to vector<16xf32>
      %mul3A_1041 = arith.constant 16 : i32
      %mul3A_1042 = arith.muli %scan3A_1030, %mul3A_1041 : i32
      %get3A_1043 = arith.index_cast %mul3A_1042 : i32 to index
      %get3A_1044 = tpu.vector_load %arg8[%get3A_1043] {strides = array<i32>} : memref<1024xf32, #tpu.memory_space<vmem>>, vector<16xf32>,
      %get3A_1045 = vector.shape_cast %get3A_1044 : vector<16xf32> to vector<16xf32>
      %eq3A = arith.cmpf oeq, %get3A_1040, %convert_element_type3A_511 : vector<16xf32>
      %eq3A_1046 = arith.cmpf oeq, %get3A_1045, %max3A_663 : vector<16xf32>
      %and3A = arith.andi %eq3A, %eq3A_1046 : vector<16xi1>
      %jit3A_1047 = arith.constant 0x7F800000 : f32
      %broadcast_in_dim3A_1048 = vector.broadcast %jit3A_1047 : f32 to vector<16xf32>
      %select_n3A_1049 = arith.select %and3A, %get3A_1035, %broadcast_in_dim3A_1048 : vector<16xi1>, vector<16xf32>
      %min3A_1050 = arith.minimumf %scan3A_1031, %select_n3A_1049 : vector<16xf32>
      scf.yield %min3A_1050 : vector<16xf32>
    }
    %scan3A_699 = arith.constant 64 : i32
    %xor3A_700 = arith.constant 1 : i32
    %xor3A_701 = vector.broadcast %xor3A_700 : i32 to vector<16xi32>
    %xor3A_702 = arith.xori %iota3A, %xor3A_701 : vector<16xi32>
    %lt3A_703 = arith.constant 0 : i32
    %lt3A_704 = vector.broadcast %lt3A_703 : i32 to vector<16xi32>
    %lt3A_705 = arith.cmpi slt, %xor3A_702, %lt3A_704 : vector<16xi32>
    %add3A_706 = arith.constant 16 : i32
    %add3A_707 = vector.broadcast %add3A_706 : i32 to vector<16xi32>
    %add3A_708 = arith.addi %xor3A_702, %add3A_707 : vector<16xi32>
    %select_n3A_709 = arith.select %lt3A_705, %add3A_708, %xor3A_702 : vector<16xi1>, vector<16xi32>
    %broadcast_in_dim3A_710 = vector.shape_cast %select_n3A_709 : vector<16xi32> to vector<16x1xi32>
    %gather3A_711 = vector.shape_cast %broadcast_in_dim3A_710 : vector<16x1xi32> to vector<16xi32>
    %gather3A_712 = tpu.dynamic_gather %scan3A_698[%gather3A_711] in [0] : vector<16xf32>, vector<16xi32> -> vector<16xf32>
    %min3A_713 = arith.minimumf %scan3A_698, %gather3A_712 : vector<16xf32>
    %xor3A_714 = arith.constant 2 : i32
    %xor3A_715 = vector.broadcast %xor3A_714 : i32 to vector<16xi32>
    %xor3A_716 = arith.xori %iota3A, %xor3A_715 : vector<16xi32>
    %lt3A_717 = arith.constant 0 : i32
    %lt3A_718 = vector.broadcast %lt3A_717 : i32 to vector<16xi32>
    %lt3A_719 = arith.cmpi slt, %xor3A_716, %lt3A_718 : vector<16xi32>
    %add3A_720 = arith.constant 16 : i32
    %add3A_721 = vector.broadcast %add3A_720 : i32 to vector<16xi32>
    %add3A_722 = arith.addi %xor3A_716, %add3A_721 : vector<16xi32>
    %select_n3A_723 = arith.select %lt3A_719, %add3A_722, %xor3A_716 : vector<16xi1>, vector<16xi32>
    %broadcast_in_dim3A_724 = vector.shape_cast %select_n3A_723 : vector<16xi32> to vector<16x1xi32>
    %gather3A_725 = vector.shape_cast %broadcast_in_dim3A_724 : vector<16x1xi32> to vector<16xi32>
    %gather3A_726 = tpu.dynamic_gather %min3A_713[%gather3A_725] in [0] : vector<16xf32>, vector<16xi32> -> vector<16xf32>
    %min3A_727 = arith.minimumf %min3A_713, %gather3A_726 : vector<16xf32>
    %xor3A_728 = arith.constant 4 : i32
    %xor3A_729 = vector.broadcast %xor3A_728 : i32 to vector<16xi32>
    %xor3A_730 = arith.xori %iota3A, %xor3A_729 : vector<16xi32>
    %lt3A_731 = arith.constant 0 : i32
    %lt3A_732 = vector.broadcast %lt3A_731 : i32 to vector<16xi32>
    %lt3A_733 = arith.cmpi slt, %xor3A_730, %lt3A_732 : vector<16xi32>
    %add3A_734 = arith.constant 16 : i32
    %add3A_735 = vector.broadcast %add3A_734 : i32 to vector<16xi32>
    %add3A_736 = arith.addi %xor3A_730, %add3A_735 : vector<16xi32>
    %select_n3A_737 = arith.select %lt3A_733, %add3A_736, %xor3A_730 : vector<16xi1>, vector<16xi32>
    %broadcast_in_dim3A_738 = vector.shape_cast %select_n3A_737 : vector<16xi32> to vector<16x1xi32>
    %gather3A_739 = vector.shape_cast %broadcast_in_dim3A_738 : vector<16x1xi32> to vector<16xi32>
    %gather3A_740 = tpu.dynamic_gather %min3A_727[%gather3A_739] in [0] : vector<16xf32>, vector<16xi32> -> vector<16xf32>
    %min3A_741 = arith.minimumf %min3A_727, %gather3A_740 : vector<16xf32>
    %xor3A_742 = arith.constant 8 : i32
    %xor3A_743 = vector.broadcast %xor3A_742 : i32 to vector<16xi32>
    %xor3A_744 = arith.xori %iota3A, %xor3A_743 : vector<16xi32>
    %lt3A_745 = arith.constant 0 : i32
    %lt3A_746 = vector.broadcast %lt3A_745 : i32 to vector<16xi32>
    %lt3A_747 = arith.cmpi slt, %xor3A_744, %lt3A_746 : vector<16xi32>
    %add3A_748 = arith.constant 16 : i32
    %add3A_749 = vector.broadcast %add3A_748 : i32 to vector<16xi32>
    %add3A_750 = arith.addi %xor3A_744, %add3A_749 : vector<16xi32>
    %select_n3A_751 = arith.select %lt3A_747, %add3A_750, %xor3A_744 : vector<16xi1>, vector<16xi32>
    %broadcast_in_dim3A_752 = vector.shape_cast %select_n3A_751 : vector<16xi32> to vector<16x1xi32>
    %gather3A_753 = vector.shape_cast %broadcast_in_dim3A_752 : vector<16x1xi32> to vector<16xi32>
    %gather3A_754 = tpu.dynamic_gather %min3A_741[%gather3A_753] in [0] : vector<16xf32>, vector<16xi32> -> vector<16xf32>
    %min3A_755 = arith.minimumf %min3A_741, %gather3A_754 : vector<16xf32>
    %gt3A_756 = arith.constant 0.000000e+00 : f32
    %gt3A_757 = vector.broadcast %gt3A_756 : f32 to vector<16xf32>
    %gt3A_758 = arith.cmpf ogt, %add3A_691, %gt3A_757 : vector<16xf32>
    %mul3A_759 = arith.mulf %add3A_691, %min3A_755 : vector<16xf32>
    %sub3A_760 = arith.subf %add3A_677, %mul3A_759 : vector<16xf32>
    %jit3A_761 = arith.constant 0.000000e+00 : f32
    %broadcast_in_dim3A_762 = vector.broadcast %jit3A_761 : f32 to vector<16xf32>
    %select_n3A_763 = arith.select %gt3A_758, %sub3A_760, %broadcast_in_dim3A_762 : vector<16xi1>, vector<16xf32>
    %add3A_764 = arith.addf %add3A_505, %select_n3A_763 : vector<16xf32>
    %mul3A_765 = arith.constant 4 : i32
    %mul3A_766 = arith.muli %arg0, %mul3A_765 : i32
    %add3A_767 = arith.constant 3 : i32
    %add3A_768 = arith.addi %mul3A_766, %add3A_767 : i32
    %broadcast_in_dim3A_769 = vector.broadcast %add3A_768 : i32 to vector<16xi32>
    %convert_element_type3A_770 = arith.sitofp %broadcast_in_dim3A_769 : vector<16xi32> to vector<16xf32>
    %broadcast_in_dim3A_771 = arith.constant -1.000000e+00 : f32
    %broadcast_in_dim3A_772 = vector.broadcast %broadcast_in_dim3A_771 : f32 to vector<16xf32>
    %broadcast_in_dim3A_773 = arith.constant 0.000000e+00 : f32
    %broadcast_in_dim3A_774 = vector.broadcast %broadcast_in_dim3A_773 : f32 to vector<16xf32>
    %broadcast_in_dim3A_775 = arith.constant 0.000000e+00 : f32
    %broadcast_in_dim3A_776 = vector.broadcast %broadcast_in_dim3A_775 : f32 to vector<16xf32>
    %scan3A_777 = arith.constant 0 : i32
    %scan3A_778 = arith.constant 64 : i32
    %scan3A_779 = arith.addi %scan3A_777, %scan3A_778 : i32
    %scan3A_780 = arith.constant 1 : i32
    %scan3A_781:3 = scf.for %scan3A_1030 = %scan3A_777 to %scan3A_779 step %scan3A_780 iter_args(%scan3A_1031 = %broadcast_in_dim3A_772, %scan3A_1032 = %broadcast_in_dim3A_774, %scan3A_1033 = %broadcast_in_dim3A_776) -> (vector<16xf32>, vector<16xf32>, vector<16xf32>)  : i32 {
      %mul3A_1034 = arith.constant 16 : i32
      %mul3A_1035 = arith.muli %scan3A_1030, %mul3A_1034 : i32
      %get3A = arith.index_cast %mul3A_1035 : i32 to index
      %get3A_1036 = tpu.vector_load %arg6[%get3A] {strides = array<i32>} : memref<1024xf32, #tpu.memory_space<vmem>>, vector<16xf32>,
      %get3A_1037 = vector.shape_cast %get3A_1036 : vector<16xf32> to vector<16xf32>
      %mul3A_1038 = arith.constant 16 : i32
      %mul3A_1039 = arith.muli %scan3A_1030, %mul3A_1038 : i32
      %get3A_1040 = arith.index_cast %mul3A_1039 : i32 to index
      %get3A_1041 = tpu.vector_load %arg7[%get3A_1040] {strides = array<i32>} : memref<1024xf32, #tpu.memory_space<vmem>>, vector<16xf32>,
      %get3A_1042 = vector.shape_cast %get3A_1041 : vector<16xf32> to vector<16xf32>
      %mul3A_1043 = arith.constant 16 : i32
      %mul3A_1044 = arith.muli %scan3A_1030, %mul3A_1043 : i32
      %get3A_1045 = arith.index_cast %mul3A_1044 : i32 to index
      %get3A_1046 = tpu.vector_load %arg8[%get3A_1045] {strides = array<i32>} : memref<1024xf32, #tpu.memory_space<vmem>>, vector<16xf32>,
      %get3A_1047 = vector.shape_cast %get3A_1046 : vector<16xf32> to vector<16xf32>
      %eq3A = arith.cmpf oeq, %get3A_1042, %convert_element_type3A_770 : vector<16xf32>
      %jit3A_1048 = arith.constant -1.000000e+00 : f32
      %broadcast_in_dim3A_1049 = vector.broadcast %jit3A_1048 : f32 to vector<16xf32>
      %select_n3A_1050 = arith.select %eq3A, %get3A_1047, %broadcast_in_dim3A_1049 : vector<16xi1>, vector<16xf32>
      %max3A_1051 = arith.maximumf %scan3A_1031, %select_n3A_1050 : vector<16xf32>
      %jit3A_1052 = arith.constant 0.000000e+00 : f32
      %broadcast_in_dim3A_1053 = vector.broadcast %jit3A_1052 : f32 to vector<16xf32>
      %select_n3A_1054 = arith.select %eq3A, %get3A_1037, %broadcast_in_dim3A_1053 : vector<16xi1>, vector<16xf32>
      %add3A_1055 = arith.addf %scan3A_1032, %select_n3A_1054 : vector<16xf32>
      %jit3A_1056 = arith.constant 1.000000e+00 : f32
      %jit3A_1057 = arith.constant 0.000000e+00 : f32
      %broadcast_in_dim3A_1058 = vector.broadcast %jit3A_1056 : f32 to vector<16xf32>
      %broadcast_in_dim3A_1059 = vector.broadcast %jit3A_1057 : f32 to vector<16xf32>
      %select_n3A_1060 = arith.select %eq3A, %broadcast_in_dim3A_1058, %broadcast_in_dim3A_1059 : vector<16xi1>, vector<16xf32>
      %add3A_1061 = arith.addf %scan3A_1033, %select_n3A_1060 : vector<16xf32>
      scf.yield %max3A_1051, %add3A_1055, %add3A_1061 : vector<16xf32>, vector<16xf32>, vector<16xf32>
    }
    %scan3A_782 = arith.constant 64 : i32
    %xor3A_783 = arith.constant 1 : i32
    %xor3A_784 = vector.broadcast %xor3A_783 : i32 to vector<16xi32>
    %xor3A_785 = arith.xori %iota3A, %xor3A_784 : vector<16xi32>
    %lt3A_786 = arith.constant 0 : i32
    %lt3A_787 = vector.broadcast %lt3A_786 : i32 to vector<16xi32>
    %lt3A_788 = arith.cmpi slt, %xor3A_785, %lt3A_787 : vector<16xi32>
    %add3A_789 = arith.constant 16 : i32
    %add3A_790 = vector.broadcast %add3A_789 : i32 to vector<16xi32>
    %add3A_791 = arith.addi %xor3A_785, %add3A_790 : vector<16xi32>
    %select_n3A_792 = arith.select %lt3A_788, %add3A_791, %xor3A_785 : vector<16xi1>, vector<16xi32>
    %broadcast_in_dim3A_793 = vector.shape_cast %select_n3A_792 : vector<16xi32> to vector<16x1xi32>
    %gather3A_794 = vector.shape_cast %broadcast_in_dim3A_793 : vector<16x1xi32> to vector<16xi32>
    %gather3A_795 = tpu.dynamic_gather %scan3A_781#0[%gather3A_794] in [0] : vector<16xf32>, vector<16xi32> -> vector<16xf32>
    %max3A_796 = arith.maximumf %scan3A_781#0, %gather3A_795 : vector<16xf32>
    %xor3A_797 = arith.constant 1 : i32
    %xor3A_798 = vector.broadcast %xor3A_797 : i32 to vector<16xi32>
    %xor3A_799 = arith.xori %iota3A, %xor3A_798 : vector<16xi32>
    %lt3A_800 = arith.constant 0 : i32
    %lt3A_801 = vector.broadcast %lt3A_800 : i32 to vector<16xi32>
    %lt3A_802 = arith.cmpi slt, %xor3A_799, %lt3A_801 : vector<16xi32>
    %add3A_803 = arith.constant 16 : i32
    %add3A_804 = vector.broadcast %add3A_803 : i32 to vector<16xi32>
    %add3A_805 = arith.addi %xor3A_799, %add3A_804 : vector<16xi32>
    %select_n3A_806 = arith.select %lt3A_802, %add3A_805, %xor3A_799 : vector<16xi1>, vector<16xi32>
    %broadcast_in_dim3A_807 = vector.shape_cast %select_n3A_806 : vector<16xi32> to vector<16x1xi32>
    %gather3A_808 = vector.shape_cast %broadcast_in_dim3A_807 : vector<16x1xi32> to vector<16xi32>
    %gather3A_809 = tpu.dynamic_gather %scan3A_781#1[%gather3A_808] in [0] : vector<16xf32>, vector<16xi32> -> vector<16xf32>
    %add3A_810 = arith.addf %scan3A_781#1, %gather3A_809 : vector<16xf32>
    %xor3A_811 = arith.constant 1 : i32
    %xor3A_812 = vector.broadcast %xor3A_811 : i32 to vector<16xi32>
    %xor3A_813 = arith.xori %iota3A, %xor3A_812 : vector<16xi32>
    %lt3A_814 = arith.constant 0 : i32
    %lt3A_815 = vector.broadcast %lt3A_814 : i32 to vector<16xi32>
    %lt3A_816 = arith.cmpi slt, %xor3A_813, %lt3A_815 : vector<16xi32>
    %add3A_817 = arith.constant 16 : i32
    %add3A_818 = vector.broadcast %add3A_817 : i32 to vector<16xi32>
    %add3A_819 = arith.addi %xor3A_813, %add3A_818 : vector<16xi32>
    %select_n3A_820 = arith.select %lt3A_816, %add3A_819, %xor3A_813 : vector<16xi1>, vector<16xi32>
    %broadcast_in_dim3A_821 = vector.shape_cast %select_n3A_820 : vector<16xi32> to vector<16x1xi32>
    %gather3A_822 = vector.shape_cast %broadcast_in_dim3A_821 : vector<16x1xi32> to vector<16xi32>
    %gather3A_823 = tpu.dynamic_gather %scan3A_781#2[%gather3A_822] in [0] : vector<16xf32>, vector<16xi32> -> vector<16xf32>
    %add3A_824 = arith.addf %scan3A_781#2, %gather3A_823 : vector<16xf32>
    %xor3A_825 = arith.constant 2 : i32
    %xor3A_826 = vector.broadcast %xor3A_825 : i32 to vector<16xi32>
    %xor3A_827 = arith.xori %iota3A, %xor3A_826 : vector<16xi32>
    %lt3A_828 = arith.constant 0 : i32
    %lt3A_829 = vector.broadcast %lt3A_828 : i32 to vector<16xi32>
    %lt3A_830 = arith.cmpi slt, %xor3A_827, %lt3A_829 : vector<16xi32>
    %add3A_831 = arith.constant 16 : i32
    %add3A_832 = vector.broadcast %add3A_831 : i32 to vector<16xi32>
    %add3A_833 = arith.addi %xor3A_827, %add3A_832 : vector<16xi32>
    %select_n3A_834 = arith.select %lt3A_830, %add3A_833, %xor3A_827 : vector<16xi1>, vector<16xi32>
    %broadcast_in_dim3A_835 = vector.shape_cast %select_n3A_834 : vector<16xi32> to vector<16x1xi32>
    %gather3A_836 = vector.shape_cast %broadcast_in_dim3A_835 : vector<16x1xi32> to vector<16xi32>
    %gather3A_837 = tpu.dynamic_gather %max3A_796[%gather3A_836] in [0] : vector<16xf32>, vector<16xi32> -> vector<16xf32>
    %max3A_838 = arith.maximumf %max3A_796, %gather3A_837 : vector<16xf32>
    %xor3A_839 = arith.constant 2 : i32
    %xor3A_840 = vector.broadcast %xor3A_839 : i32 to vector<16xi32>
    %xor3A_841 = arith.xori %iota3A, %xor3A_840 : vector<16xi32>
    %lt3A_842 = arith.constant 0 : i32
    %lt3A_843 = vector.broadcast %lt3A_842 : i32 to vector<16xi32>
    %lt3A_844 = arith.cmpi slt, %xor3A_841, %lt3A_843 : vector<16xi32>
    %add3A_845 = arith.constant 16 : i32
    %add3A_846 = vector.broadcast %add3A_845 : i32 to vector<16xi32>
    %add3A_847 = arith.addi %xor3A_841, %add3A_846 : vector<16xi32>
    %select_n3A_848 = arith.select %lt3A_844, %add3A_847, %xor3A_841 : vector<16xi1>, vector<16xi32>
    %broadcast_in_dim3A_849 = vector.shape_cast %select_n3A_848 : vector<16xi32> to vector<16x1xi32>
    %gather3A_850 = vector.shape_cast %broadcast_in_dim3A_849 : vector<16x1xi32> to vector<16xi32>
    %gather3A_851 = tpu.dynamic_gather %add3A_810[%gather3A_850] in [0] : vector<16xf32>, vector<16xi32> -> vector<16xf32>
    %add3A_852 = arith.addf %add3A_810, %gather3A_851 : vector<16xf32>
    %xor3A_853 = arith.constant 2 : i32
    %xor3A_854 = vector.broadcast %xor3A_853 : i32 to vector<16xi32>
    %xor3A_855 = arith.xori %iota3A, %xor3A_854 : vector<16xi32>
    %lt3A_856 = arith.constant 0 : i32
    %lt3A_857 = vector.broadcast %lt3A_856 : i32 to vector<16xi32>
    %lt3A_858 = arith.cmpi slt, %xor3A_855, %lt3A_857 : vector<16xi32>
    %add3A_859 = arith.constant 16 : i32
    %add3A_860 = vector.broadcast %add3A_859 : i32 to vector<16xi32>
    %add3A_861 = arith.addi %xor3A_855, %add3A_860 : vector<16xi32>
    %select_n3A_862 = arith.select %lt3A_858, %add3A_861, %xor3A_855 : vector<16xi1>, vector<16xi32>
    %broadcast_in_dim3A_863 = vector.shape_cast %select_n3A_862 : vector<16xi32> to vector<16x1xi32>
    %gather3A_864 = vector.shape_cast %broadcast_in_dim3A_863 : vector<16x1xi32> to vector<16xi32>
    %gather3A_865 = tpu.dynamic_gather %add3A_824[%gather3A_864] in [0] : vector<16xf32>, vector<16xi32> -> vector<16xf32>
    %add3A_866 = arith.addf %add3A_824, %gather3A_865 : vector<16xf32>
    %xor3A_867 = arith.constant 4 : i32
    %xor3A_868 = vector.broadcast %xor3A_867 : i32 to vector<16xi32>
    %xor3A_869 = arith.xori %iota3A, %xor3A_868 : vector<16xi32>
    %lt3A_870 = arith.constant 0 : i32
    %lt3A_871 = vector.broadcast %lt3A_870 : i32 to vector<16xi32>
    %lt3A_872 = arith.cmpi slt, %xor3A_869, %lt3A_871 : vector<16xi32>
    %add3A_873 = arith.constant 16 : i32
    %add3A_874 = vector.broadcast %add3A_873 : i32 to vector<16xi32>
    %add3A_875 = arith.addi %xor3A_869, %add3A_874 : vector<16xi32>
    %select_n3A_876 = arith.select %lt3A_872, %add3A_875, %xor3A_869 : vector<16xi1>, vector<16xi32>
    %broadcast_in_dim3A_877 = vector.shape_cast %select_n3A_876 : vector<16xi32> to vector<16x1xi32>
    %gather3A_878 = vector.shape_cast %broadcast_in_dim3A_877 : vector<16x1xi32> to vector<16xi32>
    %gather3A_879 = tpu.dynamic_gather %max3A_838[%gather3A_878] in [0] : vector<16xf32>, vector<16xi32> -> vector<16xf32>
    %max3A_880 = arith.maximumf %max3A_838, %gather3A_879 : vector<16xf32>
    %xor3A_881 = arith.constant 4 : i32
    %xor3A_882 = vector.broadcast %xor3A_881 : i32 to vector<16xi32>
    %xor3A_883 = arith.xori %iota3A, %xor3A_882 : vector<16xi32>
    %lt3A_884 = arith.constant 0 : i32
    %lt3A_885 = vector.broadcast %lt3A_884 : i32 to vector<16xi32>
    %lt3A_886 = arith.cmpi slt, %xor3A_883, %lt3A_885 : vector<16xi32>
    %add3A_887 = arith.constant 16 : i32
    %add3A_888 = vector.broadcast %add3A_887 : i32 to vector<16xi32>
    %add3A_889 = arith.addi %xor3A_883, %add3A_888 : vector<16xi32>
    %select_n3A_890 = arith.select %lt3A_886, %add3A_889, %xor3A_883 : vector<16xi1>, vector<16xi32>
    %broadcast_in_dim3A_891 = vector.shape_cast %select_n3A_890 : vector<16xi32> to vector<16x1xi32>
    %gather3A_892 = vector.shape_cast %broadcast_in_dim3A_891 : vector<16x1xi32> to vector<16xi32>
    %gather3A_893 = tpu.dynamic_gather %add3A_852[%gather3A_892] in [0] : vector<16xf32>, vector<16xi32> -> vector<16xf32>
    %add3A_894 = arith.addf %add3A_852, %gather3A_893 : vector<16xf32>
    %xor3A_895 = arith.constant 4 : i32
    %xor3A_896 = vector.broadcast %xor3A_895 : i32 to vector<16xi32>
    %xor3A_897 = arith.xori %iota3A, %xor3A_896 : vector<16xi32>
    %lt3A_898 = arith.constant 0 : i32
    %lt3A_899 = vector.broadcast %lt3A_898 : i32 to vector<16xi32>
    %lt3A_900 = arith.cmpi slt, %xor3A_897, %lt3A_899 : vector<16xi32>
    %add3A_901 = arith.constant 16 : i32
    %add3A_902 = vector.broadcast %add3A_901 : i32 to vector<16xi32>
    %add3A_903 = arith.addi %xor3A_897, %add3A_902 : vector<16xi32>
    %select_n3A_904 = arith.select %lt3A_900, %add3A_903, %xor3A_897 : vector<16xi1>, vector<16xi32>
    %broadcast_in_dim3A_905 = vector.shape_cast %select_n3A_904 : vector<16xi32> to vector<16x1xi32>
    %gather3A_906 = vector.shape_cast %broadcast_in_dim3A_905 : vector<16x1xi32> to vector<16xi32>
    %gather3A_907 = tpu.dynamic_gather %add3A_866[%gather3A_906] in [0] : vector<16xf32>, vector<16xi32> -> vector<16xf32>
    %add3A_908 = arith.addf %add3A_866, %gather3A_907 : vector<16xf32>
    %xor3A_909 = arith.constant 8 : i32
    %xor3A_910 = vector.broadcast %xor3A_909 : i32 to vector<16xi32>
    %xor3A_911 = arith.xori %iota3A, %xor3A_910 : vector<16xi32>
    %lt3A_912 = arith.constant 0 : i32
    %lt3A_913 = vector.broadcast %lt3A_912 : i32 to vector<16xi32>
    %lt3A_914 = arith.cmpi slt, %xor3A_911, %lt3A_913 : vector<16xi32>
    %add3A_915 = arith.constant 16 : i32
    %add3A_916 = vector.broadcast %add3A_915 : i32 to vector<16xi32>
    %add3A_917 = arith.addi %xor3A_911, %add3A_916 : vector<16xi32>
    %select_n3A_918 = arith.select %lt3A_914, %add3A_917, %xor3A_911 : vector<16xi1>, vector<16xi32>
    %broadcast_in_dim3A_919 = vector.shape_cast %select_n3A_918 : vector<16xi32> to vector<16x1xi32>
    %gather3A_920 = vector.shape_cast %broadcast_in_dim3A_919 : vector<16x1xi32> to vector<16xi32>
    %gather3A_921 = tpu.dynamic_gather %max3A_880[%gather3A_920] in [0] : vector<16xf32>, vector<16xi32> -> vector<16xf32>
    %max3A_922 = arith.maximumf %max3A_880, %gather3A_921 : vector<16xf32>
    %xor3A_923 = arith.constant 8 : i32
    %xor3A_924 = vector.broadcast %xor3A_923 : i32 to vector<16xi32>
    %xor3A_925 = arith.xori %iota3A, %xor3A_924 : vector<16xi32>
    %lt3A_926 = arith.constant 0 : i32
    %lt3A_927 = vector.broadcast %lt3A_926 : i32 to vector<16xi32>
    %lt3A_928 = arith.cmpi slt, %xor3A_925, %lt3A_927 : vector<16xi32>
    %add3A_929 = arith.constant 16 : i32
    %add3A_930 = vector.broadcast %add3A_929 : i32 to vector<16xi32>
    %add3A_931 = arith.addi %xor3A_925, %add3A_930 : vector<16xi32>
    %select_n3A_932 = arith.select %lt3A_928, %add3A_931, %xor3A_925 : vector<16xi1>, vector<16xi32>
    %broadcast_in_dim3A_933 = vector.shape_cast %select_n3A_932 : vector<16xi32> to vector<16x1xi32>
    %gather3A_934 = vector.shape_cast %broadcast_in_dim3A_933 : vector<16x1xi32> to vector<16xi32>
    %gather3A_935 = tpu.dynamic_gather %add3A_894[%gather3A_934] in [0] : vector<16xf32>, vector<16xi32> -> vector<16xf32>
    %add3A_936 = arith.addf %add3A_894, %gather3A_935 : vector<16xf32>
    %xor3A_937 = arith.constant 8 : i32
    %xor3A_938 = vector.broadcast %xor3A_937 : i32 to vector<16xi32>
    %xor3A_939 = arith.xori %iota3A, %xor3A_938 : vector<16xi32>
    %lt3A_940 = arith.constant 0 : i32
    %lt3A_941 = vector.broadcast %lt3A_940 : i32 to vector<16xi32>
    %lt3A_942 = arith.cmpi slt, %xor3A_939, %lt3A_941 : vector<16xi32>
    %add3A_943 = arith.constant 16 : i32
    %add3A_944 = vector.broadcast %add3A_943 : i32 to vector<16xi32>
    %add3A_945 = arith.addi %xor3A_939, %add3A_944 : vector<16xi32>
    %select_n3A_946 = arith.select %lt3A_942, %add3A_945, %xor3A_939 : vector<16xi1>, vector<16xi32>
    %broadcast_in_dim3A_947 = vector.shape_cast %select_n3A_946 : vector<16xi32> to vector<16x1xi32>
    %gather3A_948 = vector.shape_cast %broadcast_in_dim3A_947 : vector<16x1xi32> to vector<16xi32>
    %gather3A_949 = tpu.dynamic_gather %add3A_908[%gather3A_948] in [0] : vector<16xf32>, vector<16xi32> -> vector<16xf32>
    %add3A_950 = arith.addf %add3A_908, %gather3A_949 : vector<16xf32>
    %broadcast_in_dim3A_951 = arith.constant 0x7F800000 : f32
    %broadcast_in_dim3A_952 = vector.broadcast %broadcast_in_dim3A_951 : f32 to vector<16xf32>
    %scan3A_953 = arith.constant 0 : i32
    %scan3A_954 = arith.constant 64 : i32
    %scan3A_955 = arith.addi %scan3A_953, %scan3A_954 : i32
    %scan3A_956 = arith.constant 1 : i32
    %scan3A_957 = scf.for %scan3A_1030 = %scan3A_953 to %scan3A_955 step %scan3A_956 iter_args(%scan3A_1031 = %broadcast_in_dim3A_952) -> (vector<16xf32>)  : i32 {
      %mul3A_1032 = arith.constant 16 : i32
      %mul3A_1033 = arith.muli %scan3A_1030, %mul3A_1032 : i32
      %get3A = arith.index_cast %mul3A_1033 : i32 to index
      %get3A_1034 = tpu.vector_load %arg6[%get3A] {strides = array<i32>} : memref<1024xf32, #tpu.memory_space<vmem>>, vector<16xf32>,
      %get3A_1035 = vector.shape_cast %get3A_1034 : vector<16xf32> to vector<16xf32>
      %mul3A_1036 = arith.constant 16 : i32
      %mul3A_1037 = arith.muli %scan3A_1030, %mul3A_1036 : i32
      %get3A_1038 = arith.index_cast %mul3A_1037 : i32 to index
      %get3A_1039 = tpu.vector_load %arg7[%get3A_1038] {strides = array<i32>} : memref<1024xf32, #tpu.memory_space<vmem>>, vector<16xf32>,
      %get3A_1040 = vector.shape_cast %get3A_1039 : vector<16xf32> to vector<16xf32>
      %mul3A_1041 = arith.constant 16 : i32
      %mul3A_1042 = arith.muli %scan3A_1030, %mul3A_1041 : i32
      %get3A_1043 = arith.index_cast %mul3A_1042 : i32 to index
      %get3A_1044 = tpu.vector_load %arg8[%get3A_1043] {strides = array<i32>} : memref<1024xf32, #tpu.memory_space<vmem>>, vector<16xf32>,
      %get3A_1045 = vector.shape_cast %get3A_1044 : vector<16xf32> to vector<16xf32>
      %eq3A = arith.cmpf oeq, %get3A_1040, %convert_element_type3A_770 : vector<16xf32>
      %eq3A_1046 = arith.cmpf oeq, %get3A_1045, %max3A_922 : vector<16xf32>
      %and3A = arith.andi %eq3A, %eq3A_1046 : vector<16xi1>
      %jit3A_1047 = arith.constant 0x7F800000 : f32
      %broadcast_in_dim3A_1048 = vector.broadcast %jit3A_1047 : f32 to vector<16xf32>
      %select_n3A_1049 = arith.select %and3A, %get3A_1035, %broadcast_in_dim3A_1048 : vector<16xi1>, vector<16xf32>
      %min3A_1050 = arith.minimumf %scan3A_1031, %select_n3A_1049 : vector<16xf32>
      scf.yield %min3A_1050 : vector<16xf32>
    }
    %scan3A_958 = arith.constant 64 : i32
    %xor3A_959 = arith.constant 1 : i32
    %xor3A_960 = vector.broadcast %xor3A_959 : i32 to vector<16xi32>
    %xor3A_961 = arith.xori %iota3A, %xor3A_960 : vector<16xi32>
    %lt3A_962 = arith.constant 0 : i32
    %lt3A_963 = vector.broadcast %lt3A_962 : i32 to vector<16xi32>
    %lt3A_964 = arith.cmpi slt, %xor3A_961, %lt3A_963 : vector<16xi32>
    %add3A_965 = arith.constant 16 : i32
    %add3A_966 = vector.broadcast %add3A_965 : i32 to vector<16xi32>
    %add3A_967 = arith.addi %xor3A_961, %add3A_966 : vector<16xi32>
    %select_n3A_968 = arith.select %lt3A_964, %add3A_967, %xor3A_961 : vector<16xi1>, vector<16xi32>
    %broadcast_in_dim3A_969 = vector.shape_cast %select_n3A_968 : vector<16xi32> to vector<16x1xi32>
    %gather3A_970 = vector.shape_cast %broadcast_in_dim3A_969 : vector<16x1xi32> to vector<16xi32>
    %gather3A_971 = tpu.dynamic_gather %scan3A_957[%gather3A_970] in [0] : vector<16xf32>, vector<16xi32> -> vector<16xf32>
    %min3A_972 = arith.minimumf %scan3A_957, %gather3A_971 : vector<16xf32>
    %xor3A_973 = arith.constant 2 : i32
    %xor3A_974 = vector.broadcast %xor3A_973 : i32 to vector<16xi32>
    %xor3A_975 = arith.xori %iota3A, %xor3A_974 : vector<16xi32>
    %lt3A_976 = arith.constant 0 : i32
    %lt3A_977 = vector.broadcast %lt3A_976 : i32 to vector<16xi32>
    %lt3A_978 = arith.cmpi slt, %xor3A_975, %lt3A_977 : vector<16xi32>
    %add3A_979 = arith.constant 16 : i32
    %add3A_980 = vector.broadcast %add3A_979 : i32 to vector<16xi32>
    %add3A_981 = arith.addi %xor3A_975, %add3A_980 : vector<16xi32>
    %select_n3A_982 = arith.select %lt3A_978, %add3A_981, %xor3A_975 : vector<16xi1>, vector<16xi32>
    %broadcast_in_dim3A_983 = vector.shape_cast %select_n3A_982 : vector<16xi32> to vector<16x1xi32>
    %gather3A_984 = vector.shape_cast %broadcast_in_dim3A_983 : vector<16x1xi32> to vector<16xi32>
    %gather3A_985 = tpu.dynamic_gather %min3A_972[%gather3A_984] in [0] : vector<16xf32>, vector<16xi32> -> vector<16xf32>
    %min3A_986 = arith.minimumf %min3A_972, %gather3A_985 : vector<16xf32>
    %xor3A_987 = arith.constant 4 : i32
    %xor3A_988 = vector.broadcast %xor3A_987 : i32 to vector<16xi32>
    %xor3A_989 = arith.xori %iota3A, %xor3A_988 : vector<16xi32>
    %lt3A_990 = arith.constant 0 : i32
    %lt3A_991 = vector.broadcast %lt3A_990 : i32 to vector<16xi32>
    %lt3A_992 = arith.cmpi slt, %xor3A_989, %lt3A_991 : vector<16xi32>
    %add3A_993 = arith.constant 16 : i32
    %add3A_994 = vector.broadcast %add3A_993 : i32 to vector<16xi32>
    %add3A_995 = arith.addi %xor3A_989, %add3A_994 : vector<16xi32>
    %select_n3A_996 = arith.select %lt3A_992, %add3A_995, %xor3A_989 : vector<16xi1>, vector<16xi32>
    %broadcast_in_dim3A_997 = vector.shape_cast %select_n3A_996 : vector<16xi32> to vector<16x1xi32>
    %gather3A_998 = vector.shape_cast %broadcast_in_dim3A_997 : vector<16x1xi32> to vector<16xi32>
    %gather3A_999 = tpu.dynamic_gather %min3A_986[%gather3A_998] in [0] : vector<16xf32>, vector<16xi32> -> vector<16xf32>
    %min3A_1000 = arith.minimumf %min3A_986, %gather3A_999 : vector<16xf32>
    %xor3A_1001 = arith.constant 8 : i32
    %xor3A_1002 = vector.broadcast %xor3A_1001 : i32 to vector<16xi32>
    %xor3A_1003 = arith.xori %iota3A, %xor3A_1002 : vector<16xi32>
    %lt3A_1004 = arith.constant 0 : i32
    %lt3A_1005 = vector.broadcast %lt3A_1004 : i32 to vector<16xi32>
    %lt3A_1006 = arith.cmpi slt, %xor3A_1003, %lt3A_1005 : vector<16xi32>
    %add3A_1007 = arith.constant 16 : i32
    %add3A_1008 = vector.broadcast %add3A_1007 : i32 to vector<16xi32>
    %add3A_1009 = arith.addi %xor3A_1003, %add3A_1008 : vector<16xi32>
    %select_n3A_1010 = arith.select %lt3A_1006, %add3A_1009, %xor3A_1003 : vector<16xi1>, vector<16xi32>
    %broadcast_in_dim3A_1011 = vector.shape_cast %select_n3A_1010 : vector<16xi32> to vector<16x1xi32>
    %gather3A_1012 = vector.shape_cast %broadcast_in_dim3A_1011 : vector<16x1xi32> to vector<16xi32>
    %gather3A_1013 = tpu.dynamic_gather %min3A_1000[%gather3A_1012] in [0] : vector<16xf32>, vector<16xi32> -> vector<16xf32>
    %min3A_1014 = arith.minimumf %min3A_1000, %gather3A_1013 : vector<16xf32>
    %gt3A_1015 = arith.constant 0.000000e+00 : f32
    %gt3A_1016 = vector.broadcast %gt3A_1015 : f32 to vector<16xf32>
    %gt3A_1017 = arith.cmpf ogt, %add3A_950, %gt3A_1016 : vector<16xf32>
    %mul3A_1018 = arith.mulf %add3A_950, %min3A_1014 : vector<16xf32>
    %sub3A_1019 = arith.subf %add3A_936, %mul3A_1018 : vector<16xf32>
    %jit3A_1020 = arith.constant 0.000000e+00 : f32
    %broadcast_in_dim3A_1021 = vector.broadcast %jit3A_1020 : f32 to vector<16xf32>
    %select_n3A_1022 = arith.select %gt3A_1017, %sub3A_1019, %broadcast_in_dim3A_1021 : vector<16xi1>, vector<16xf32>
    %add3A_1023 = arith.addf %add3A_764, %select_n3A_1022 : vector<16xf32>
    %swap3A = arith.constant 0 : index
    %swap3A_1024 = tpu.vector_load %arg9[%swap3A] {strides = array<i32>} : memref<16xf32, #tpu.memory_space<vmem>>, vector<16xf32>,
    %swap3A_1025 = vector.shape_cast %swap3A_1024 : vector<16xf32> to vector<16xf32>
    %swap3A_1026 = vector.shape_cast %add3A_1023 : vector<16xf32> to vector<16xf32>
    tpu.vector_store %arg9[%swap3A], %swap3A_1026 {strides = array<i32>} : memref<16xf32, #tpu.memory_space<vmem>>, vector<16xf32>,
    %mul3A_1027 = arith.constant 2 : i32
    %mul3A_1028 = arith.muli %arg1, %mul3A_1027 : i32
    %add3A_1029 = arith.addi %mul3A_1028, %arg0 : i32
    "tpu.region"() ({
      %run_scoped3A = tpu.sem_alloc : memref<!tpu.dma_semaphore, #tpu.memory_space<semaphore_mem>>
      %dma_start3A = arith.constant 0 : i32
      %dma_start3A_1030 = tpu.memref_slice %arg5[%add3A_1029, %dma_start3A] : memref<32x16xf32, #tpu.memory_space<hbm>> -> memref<1x16xf32, #tpu.memory_space<hbm>>
      %dma_start3A_1031 = tpu.memref_squeeze %dma_start3A_1030 : memref<1x16xf32, #tpu.memory_space<hbm>> -> memref<16xf32, #tpu.memory_space<hbm>>
      %dma_start3A_1032 = arith.constant 0 : i32
      %dma_start3A_1033 = tpu.memref_slice %arg5[%add3A_1029, %dma_start3A_1032] : memref<32x16xf32, #tpu.memory_space<hbm>> -> memref<1x16xf32, #tpu.memory_space<hbm>>
      %dma_start3A_1034 = tpu.memref_squeeze %dma_start3A_1033 : memref<1x16xf32, #tpu.memory_space<hbm>> -> memref<16xf32, #tpu.memory_space<hbm>>
      tpu.enqueue_dma source(%arg9 : memref<16xf32, #tpu.memory_space<vmem>>) target(%dma_start3A_1034 : memref<16xf32, #tpu.memory_space<hbm>>) target_semaphore(%run_scoped3A : memref<!tpu.dma_semaphore, #tpu.memory_space<semaphore_mem>>)
      %dma_wait3A = arith.constant 0 : i32
      %dma_wait3A_1035 = tpu.memref_slice %arg5[%add3A_1029, %dma_wait3A] : memref<32x16xf32, #tpu.memory_space<hbm>> -> memref<1x16xf32, #tpu.memory_space<hbm>>
      %dma_wait3A_1036 = tpu.memref_squeeze %dma_wait3A_1035 : memref<1x16xf32, #tpu.memory_space<hbm>> -> memref<16xf32, #tpu.memory_space<hbm>>
      %dma_wait3A_1037 = arith.constant 0 : i32
      %dma_wait3A_1038 = tpu.memref_slice %arg5[%add3A_1029, %dma_wait3A_1037] : memref<32x16xf32, #tpu.memory_space<hbm>> -> memref<1x16xf32, #tpu.memory_space<hbm>>
      %dma_wait3A_1039 = tpu.memref_squeeze %dma_wait3A_1038 : memref<1x16xf32, #tpu.memory_space<hbm>> -> memref<16xf32, #tpu.memory_space<hbm>>
      tpu.wait_dma2 semaphore(%run_scoped3A : memref<!tpu.dma_semaphore, #tpu.memory_space<semaphore_mem>>) src(%arg9 : memref<16xf32, #tpu.memory_space<vmem>>) dst(%dma_wait3A_1039 : memref<16xf32, #tpu.memory_space<hbm>>)
      tpu.yield
    }) : () -> ()
    return
  }
}

module attributes {stable_mosaic.version = 14 : i64} {
  func.func @_tc_count_body(%arg0: i32, %arg1: memref<1x1x1024xf32, #tpu.memory_space<vmem>>, %arg2: memref<1x1x1024xf32, #tpu.memory_space<vmem>>, %arg3: memref<1x1x1024xf32, #tpu.memory_space<vmem>>) attributes {dimension_semantics = [#tpu.dimension_semantics<arbitrary>], iteration_bounds = array<i64: 16>, scalar_prefetch = 0 : i64, scratch_operands = 0 : i64, tpu.core_type = #tpu.core_type<tc>, window_params = [{transform_indices = @transform_0, window_bounds = array<i64: 1, 1, 1024>}, {transform_indices = @transform_1, window_bounds = array<i64: 1, 1, 1024>}, {transform_indices = @transform_2, window_bounds = array<i64: 1, 1, 1024>}]} {
    %get3A = arith.constant 0 : index
    %get3A_0 = arith.constant 0 : index
    %get3A_1 = arith.constant 0 : index
    %get3A_2 = vector.load %arg1[%get3A, %get3A_0, %get3A_1] : memref<1x1x1024xf32, #tpu.memory_space<vmem>>, vector<1x1x1024xf32>
    %get3A_3 = vector.shape_cast %get3A_2 : vector<1x1x1024xf32> to vector<1024xf32>
    %get3A_4 = arith.constant 0 : index
    %get3A_5 = arith.constant 0 : index
    %get3A_6 = arith.constant 0 : index
    %get3A_7 = vector.load %arg2[%get3A_4, %get3A_5, %get3A_6] : memref<1x1x1024xf32, #tpu.memory_space<vmem>>, vector<1x1x1024xf32>
    %get3A_8 = vector.shape_cast %get3A_7 : vector<1x1x1024xf32> to vector<1024xf32>
    %slice3A = vector.extract_strided_slice %get3A_3 {offsets = [0], sizes = [256], strides = [1]} : vector<1024xf32> to vector<256xf32>
    %broadcast_in_dim3A = vector.shape_cast %slice3A : vector<256xf32> to vector<256x1xf32>
    %slice3A_9 = vector.extract_strided_slice %get3A_8 {offsets = [0], sizes = [256], strides = [1]} : vector<1024xf32> to vector<256xf32>
    %broadcast_in_dim3A_10 = vector.shape_cast %slice3A_9 : vector<256xf32> to vector<256x1xf32>
    %broadcast_in_dim3A_11 = vector.shape_cast %get3A_3 : vector<1024xf32> to vector<1x1024xf32>
    %eq3A = vector.broadcast %broadcast_in_dim3A : vector<256x1xf32> to vector<256x1024xf32>
    %eq3A_12 = vector.broadcast %broadcast_in_dim3A_11 : vector<1x1024xf32> to vector<256x1024xf32>
    %eq3A_13 = arith.cmpf oeq, %eq3A, %eq3A_12 : vector<256x1024xf32>
    %broadcast_in_dim3A_14 = vector.shape_cast %get3A_8 : vector<1024xf32> to vector<1x1024xf32>
    %eq3A_15 = vector.broadcast %broadcast_in_dim3A_10 : vector<256x1xf32> to vector<256x1024xf32>
    %eq3A_16 = vector.broadcast %broadcast_in_dim3A_14 : vector<1x1024xf32> to vector<256x1024xf32>
    %eq3A_17 = arith.cmpf oeq, %eq3A_15, %eq3A_16 : vector<256x1024xf32>
    %and3A = arith.andi %eq3A_13, %eq3A_17 : vector<256x1024xi1>
    %convert_element_type3A = arith.extui %and3A : vector<256x1024xi1> to vector<256x1024xi32>
    %convert_element_type3A_18 = arith.sitofp %convert_element_type3A : vector<256x1024xi32> to vector<256x1024xf32>
    %reduce_sum3A = arith.constant dense<0.000000e+00> : vector<256xf32>
    %reduce_sum3A_19 = vector.multi_reduction <add>, %convert_element_type3A_18, %reduce_sum3A [1] : vector<256x1024xf32> to vector<256xf32>
    %slice3A_20 = vector.extract_strided_slice %get3A_3 {offsets = [256], sizes = [256], strides = [1]} : vector<1024xf32> to vector<256xf32>
    %broadcast_in_dim3A_21 = vector.shape_cast %slice3A_20 : vector<256xf32> to vector<256x1xf32>
    %slice3A_22 = vector.extract_strided_slice %get3A_8 {offsets = [256], sizes = [256], strides = [1]} : vector<1024xf32> to vector<256xf32>
    %broadcast_in_dim3A_23 = vector.shape_cast %slice3A_22 : vector<256xf32> to vector<256x1xf32>
    %broadcast_in_dim3A_24 = vector.shape_cast %get3A_3 : vector<1024xf32> to vector<1x1024xf32>
    %eq3A_25 = vector.broadcast %broadcast_in_dim3A_21 : vector<256x1xf32> to vector<256x1024xf32>
    %eq3A_26 = vector.broadcast %broadcast_in_dim3A_24 : vector<1x1024xf32> to vector<256x1024xf32>
    %eq3A_27 = arith.cmpf oeq, %eq3A_25, %eq3A_26 : vector<256x1024xf32>
    %broadcast_in_dim3A_28 = vector.shape_cast %get3A_8 : vector<1024xf32> to vector<1x1024xf32>
    %eq3A_29 = vector.broadcast %broadcast_in_dim3A_23 : vector<256x1xf32> to vector<256x1024xf32>
    %eq3A_30 = vector.broadcast %broadcast_in_dim3A_28 : vector<1x1024xf32> to vector<256x1024xf32>
    %eq3A_31 = arith.cmpf oeq, %eq3A_29, %eq3A_30 : vector<256x1024xf32>
    %and3A_32 = arith.andi %eq3A_27, %eq3A_31 : vector<256x1024xi1>
    %convert_element_type3A_33 = arith.extui %and3A_32 : vector<256x1024xi1> to vector<256x1024xi32>
    %convert_element_type3A_34 = arith.sitofp %convert_element_type3A_33 : vector<256x1024xi32> to vector<256x1024xf32>
    %reduce_sum3A_35 = arith.constant dense<0.000000e+00> : vector<256xf32>
    %reduce_sum3A_36 = vector.multi_reduction <add>, %convert_element_type3A_34, %reduce_sum3A_35 [1] : vector<256x1024xf32> to vector<256xf32>
    %slice3A_37 = vector.extract_strided_slice %get3A_3 {offsets = [512], sizes = [256], strides = [1]} : vector<1024xf32> to vector<256xf32>
    %broadcast_in_dim3A_38 = vector.shape_cast %slice3A_37 : vector<256xf32> to vector<256x1xf32>
    %slice3A_39 = vector.extract_strided_slice %get3A_8 {offsets = [512], sizes = [256], strides = [1]} : vector<1024xf32> to vector<256xf32>
    %broadcast_in_dim3A_40 = vector.shape_cast %slice3A_39 : vector<256xf32> to vector<256x1xf32>
    %broadcast_in_dim3A_41 = vector.shape_cast %get3A_3 : vector<1024xf32> to vector<1x1024xf32>
    %eq3A_42 = vector.broadcast %broadcast_in_dim3A_38 : vector<256x1xf32> to vector<256x1024xf32>
    %eq3A_43 = vector.broadcast %broadcast_in_dim3A_41 : vector<1x1024xf32> to vector<256x1024xf32>
    %eq3A_44 = arith.cmpf oeq, %eq3A_42, %eq3A_43 : vector<256x1024xf32>
    %broadcast_in_dim3A_45 = vector.shape_cast %get3A_8 : vector<1024xf32> to vector<1x1024xf32>
    %eq3A_46 = vector.broadcast %broadcast_in_dim3A_40 : vector<256x1xf32> to vector<256x1024xf32>
    %eq3A_47 = vector.broadcast %broadcast_in_dim3A_45 : vector<1x1024xf32> to vector<256x1024xf32>
    %eq3A_48 = arith.cmpf oeq, %eq3A_46, %eq3A_47 : vector<256x1024xf32>
    %and3A_49 = arith.andi %eq3A_44, %eq3A_48 : vector<256x1024xi1>
    %convert_element_type3A_50 = arith.extui %and3A_49 : vector<256x1024xi1> to vector<256x1024xi32>
    %convert_element_type3A_51 = arith.sitofp %convert_element_type3A_50 : vector<256x1024xi32> to vector<256x1024xf32>
    %reduce_sum3A_52 = arith.constant dense<0.000000e+00> : vector<256xf32>
    %reduce_sum3A_53 = vector.multi_reduction <add>, %convert_element_type3A_51, %reduce_sum3A_52 [1] : vector<256x1024xf32> to vector<256xf32>
    %slice3A_54 = vector.extract_strided_slice %get3A_3 {offsets = [768], sizes = [256], strides = [1]} : vector<1024xf32> to vector<256xf32>
    %broadcast_in_dim3A_55 = vector.shape_cast %slice3A_54 : vector<256xf32> to vector<256x1xf32>
    %slice3A_56 = vector.extract_strided_slice %get3A_8 {offsets = [768], sizes = [256], strides = [1]} : vector<1024xf32> to vector<256xf32>
    %broadcast_in_dim3A_57 = vector.shape_cast %slice3A_56 : vector<256xf32> to vector<256x1xf32>
    %broadcast_in_dim3A_58 = vector.shape_cast %get3A_3 : vector<1024xf32> to vector<1x1024xf32>
    %eq3A_59 = vector.broadcast %broadcast_in_dim3A_55 : vector<256x1xf32> to vector<256x1024xf32>
    %eq3A_60 = vector.broadcast %broadcast_in_dim3A_58 : vector<1x1024xf32> to vector<256x1024xf32>
    %eq3A_61 = arith.cmpf oeq, %eq3A_59, %eq3A_60 : vector<256x1024xf32>
    %broadcast_in_dim3A_62 = vector.shape_cast %get3A_8 : vector<1024xf32> to vector<1x1024xf32>
    %eq3A_63 = vector.broadcast %broadcast_in_dim3A_57 : vector<256x1xf32> to vector<256x1024xf32>
    %eq3A_64 = vector.broadcast %broadcast_in_dim3A_62 : vector<1x1024xf32> to vector<256x1024xf32>
    %eq3A_65 = arith.cmpf oeq, %eq3A_63, %eq3A_64 : vector<256x1024xf32>
    %and3A_66 = arith.andi %eq3A_61, %eq3A_65 : vector<256x1024xi1>
    %convert_element_type3A_67 = arith.extui %and3A_66 : vector<256x1024xi1> to vector<256x1024xi32>
    %convert_element_type3A_68 = arith.sitofp %convert_element_type3A_67 : vector<256x1024xi32> to vector<256x1024xf32>
    %reduce_sum3A_69 = arith.constant dense<0.000000e+00> : vector<256xf32>
    %reduce_sum3A_70 = vector.multi_reduction <add>, %convert_element_type3A_68, %reduce_sum3A_69 [1] : vector<256x1024xf32> to vector<256xf32>
    %concatenate3A = tpu.concatenate %reduce_sum3A_19, %reduce_sum3A_36, %reduce_sum3A_53, %reduce_sum3A_70 in 0 : vector<256xf32>, vector<256xf32>, vector<256xf32>, vector<256xf32> -> vector<1024xf32>
    %swap3A = arith.constant 0 : index
    %swap3A_71 = arith.constant 0 : index
    %swap3A_72 = arith.constant 0 : index
    %swap3A_73 = vector.load %arg3[%swap3A, %swap3A_71, %swap3A_72] : memref<1x1x1024xf32, #tpu.memory_space<vmem>>, vector<1x1x1024xf32>
    %swap3A_74 = vector.shape_cast %swap3A_73 : vector<1x1x1024xf32> to vector<1024xf32>
    %swap3A_75 = vector.shape_cast %concatenate3A : vector<1024xf32> to vector<1x1x1024xf32>
    tpu.vector_store %arg3[%swap3A, %swap3A_71, %swap3A_72], %swap3A_75 {strides = array<i32>} : memref<1x1x1024xf32, #tpu.memory_space<vmem>>, vector<1x1x1024xf32>,
    return
  }
  func.func @transform_0(%arg0: i32) -> (i32, i32, i32) {
    %c0_i32 = arith.constant 0 : i32
    %c0_i32_0 = arith.constant 0 : i32
    %c0_i32_1 = arith.constant 0 : i32
    return %arg0, %c0_i32, %c0_i32_0 : i32, i32, i32
  }
  func.func @transform_1(%arg0: i32) -> (i32, i32, i32) {
    %c0_i32 = arith.constant 0 : i32
    %c0_i32_0 = arith.constant 0 : i32
    %c0_i32_1 = arith.constant 0 : i32
    return %arg0, %c0_i32, %c0_i32_0 : i32, i32, i32
  }
  func.func @transform_2(%arg0: i32) -> (i32, i32, i32) {
    %c0_i32 = arith.constant 0 : i32
    %c0_i32_0 = arith.constant 0 : i32
    %c0_i32_1 = arith.constant 0 : i32
    return %arg0, %c0_i32, %c0_i32_0 : i32, i32, i32
  }
}

</mosaic_0001>

<sc_bundles>
// kernel: kernel.4.cloned.1.call-start
scs
__scs_entry_jumppad:
0x0: {  	(pc) =	sbr.rel $0x88, $3  }
0x1: {  	(tag) =	ssettag $0x0;
	lr =	simm.s32 $0x1  }
0x2: {  	[smem:$0x3F9F] =	sst lr;
	_ =	strace $0xD0000000  }
0x3: {  	_ = 	snop  }
0x4: {  	_ = 	snop  }
0x5: {  	_ = 	snop  }
0x6: {  	_ = 	snop  }
0x7: {  	_ = 	snop  }
__scs_overlays_trampoline_lowered:
0x8: {  	[smem:$0x3FAE] =	sst s0  }
0x9: {  	[smem:$0x3FAF] =	sst s1  }
0xa: {  	[smem:$0x3FB0] =	sst s2  }
0xb: {  	[smem:$0x3FB1] =	sst s3  }
0xc: {  	[smem:$0x3FB2] =	sst s4  }
0xd: {  	[smem:$0x3FB3] =	sst s5  }
0xe: {  	[smem:$0x3FB4] =	sst s6  }
0xf: {  	[smem:$0x3FB5] =	sst s7  }
0x10: {  	[smem:$0x3FB6] =	sst s8  }
0x11: {  	[smem:$0x3FB7] =	sst s9;
	s0 =	simm.s32 @!p0 $0x0  }
0x12: {  	s1 =	sld [smem:$0x3F9D];
	s0 =	simm.s32 @p0 $0x1  }
0x13: {  	[smem:$0x3FB8] =	sst s0;
	s0 =	simm.s32 @!p1 $0x0  }
0x14: {  	s2 =	sld [smem:$0x3F9C];
	s0 =	simm.s32 @p1 $0x1  }
0x15: {  	[smem:$0x3FB9] =	sst s0;
	s0 =	simm.s32 @!p2 $0x0  }
0x16: {  	s3 =	sld [smem:$0x3FDB];
	s0 =	simm.s32 @p2 $0x1  }
0x17: {  	s4 =	simm.s32 $0x1BF5;
	[smem:$0x3FBB] =	sst s0  }
0x18: {  	s0 =	sld [smem:$0x3F9E];
	_ =	swait.ge [sflag:s4], $0x0  }
0x19: {  	s7 =	sld [smem:$0x3F9F]  }
0x1a: {  	s8 =	sadd.s32 $0xFFFFE003, lr  }
0x1b: {  	s9 =	sadd.s32 $0xFFFFFEF7, lr;
	s5 =	simm.s32 $0xFFFFFFFF;
	p2 =	slt.u32 s8, $0xFFFFF086  }
0x1c: {  	p1 =	slt.u32 s9, $0xF7A;
	s5 =	simm.s32 @!p2 $0x0  }
0x1d: {  	s5 =	simm.s32 @p1 $0x1;
	p0 =	seq.s32 s7, s2  }
0x1e: {  	s7 =	smul.u32 @!p0 $0xF7A, s2;
	p2 =	seq.s32 @!p0 s5, $0x0  }
0x1f: {  	s9 =	smul.u32 $0xF7A, s1;
	s8 =	simm.s32 @!p0 $0x1BF5;
	p2 =	por !p2, p0  }
0x20: {  	[sflag:s8] =	ssyncset.s32 @!p0 $0xFFFFF086;
	s6 =	sadd.s32 @!p0 s3, s7;
	s7 =	simm.s32 @!p0 $0x108  }
0x21: {  	s3 =	sadd.s32 s3, s9;
	s6 =	sadd.s32 @!p0 $0x88, s6;
	s7 =	simm.s32 @p2 $0x1082  }
0x22: {  	[simem:s7], [sflag:s8] =	dma.local @!p0 [hbm:s6], $0xF7A  }
0x23: {  	s9 =	sor.u32 $0xD0000000, s2;
	s6 =	simm.s32 $0x108;
	_ =	swait.ge @!p0 [sflag:s8], $0x0  }
0x24: {  	s3 =	sadd.s32 $0x88, s3;
	s6 =	simm.s32 @!p1 $0x1082;
	[sflag:s4] =	ssyncset.s32 $0xFFFFF086  }
0x25: {  	[simem:s6], [sflag:s4] =	dma.local [hbm:s3], $0xF7A  }
0x26: {  	[smem:$0x3F9F] =	sst s1;
	(tag) =	ssettag s2;
	_ =	strace s9  }
0x27: {  	s1 =	sld [smem:$0x3FAF]  }
0x28: {  	s2 =	sld [smem:$0x3FB0]  }
0x29: {  	s4 =	sld [smem:$0x3FB2]  }
0x2a: {  	p0 =	seq.s32 s5, $0x0;
	s5 =	sld [smem:$0x3FB3]  }
0x2b: {  	s6 =	sld [smem:$0x3FB4]  }
0x2c: {  	s7 =	sld [smem:$0x3FB5]  }
0x2d: {  	s3 =	simm.s32 $0x108;
	s8 =	sld [smem:$0x3FB6]  }
0x2e: {  	s3 =	simm.s32 @!p0 $0x1082;
	s9 =	sld [smem:$0x3FB7]  }
0x2f: {  	lr =	sadd.s32 s0, s3;
	s0 =	sld [smem:$0x3FAE]  }
0x30: {  	s3 =	sld [smem:$0x3FB1]  }
0x31: {  	[smem:$0x3FBA] =	sst s10  }
0x32: {  	s10 =	sld [smem:$0x3FB8];
	_ =	sdelay $0x3  }
0x33: {  	p0 =	seq.s32 s10, $0x1;
	s10 =	sld [smem:$0x3FBA];
	_ =	sdelay $0x3  }
0x34: {  	[smem:$0x3FBA] =	sst s10  }
0x35: {  	s10 =	sld [smem:$0x3FB9];
	_ =	sdelay $0x3  }
0x36: {  	p1 =	seq.s32 s10, $0x1;
	s10 =	sld [smem:$0x3FBA];
	_ =	sdelay $0x3  }
0x37: {  	[smem:$0x3FBA] =	sst s10  }
0x38: {  	s10 =	sld [smem:$0x3FBB]  }
0x39: {  	_ = 	snop;
	(pc) =	sbr.ind lr, $3  }
0x3a: {  	_ = 	snop  }
0x3b: {  	_ = 	snop  }
0x3c: {  	p2 =	seq.s32 s10, $0x1;
	s10 =	sld [smem:$0x3FBA]  }
0x3d: {  	_ =	shalt  }
0x3e: {  	_ =	shalt  }
0x3f: {  	_ =	shalt  }
0x40: {  	_ =	shalt  }
0x41: {  	_ =	shalt  }
0x42: {  	_ =	shalt  }
0x43: {  	_ =	shalt  }
0x44: {  	_ =	shalt  }
0x45: {  	_ =	shalt  }
0x46: {  	_ =	shalt  }
0x47: {  	_ =	shalt  }
0x48: {  	_ =	shalt  }
0x49: {  	_ =	shalt  }
0x4a: {  	_ =	shalt  }
0x4b: {  	_ =	shalt  }
0x4c: {  	_ =	shalt  }
0x4d: {  	_ =	shalt  }
0x4e: {  	_ =	shalt  }
0x4f: {  	_ =	shalt  }
0x50: {  	_ =	shalt  }
0x51: {  	_ =	shalt  }
0x52: {  	_ =	shalt  }
0x53: {  	_ =	shalt  }
0x54: {  	_ =	shalt  }
0x55: {  	_ =	shalt  }
0x56: {  	_ =	shalt  }
0x57: {  	_ =	shalt  }
0x58: {  	_ =	shalt  }
0x59: {  	_ =	shalt  }
0x5a: {  	_ =	shalt  }
0x5b: {  	_ =	shalt  }
0x5c: {  	_ =	shalt  }
0x5d: {  	_ =	shalt  }
0x5e: {  	_ =	shalt  }
0x5f: {  	_ =	shalt  }
0x60: {  	_ =	shalt  }
0x61: {  	_ =	shalt  }
0x62: {  	_ =	shalt  }
0x63: {  	_ =	shalt  }
0x64: {  	_ =	shalt  }
0x65: {  	_ =	shalt  }
0x66: {  	_ =	shalt  }
0x67: {  	_ =	shalt  }
0x68: {  	_ =	shalt  }
0x69: {  	_ =	shalt  }
0x6a: {  	_ =	shalt  }
0x6b: {  	_ =	shalt  }
0x6c: {  	_ =	shalt  }
0x6d: {  	_ =	shalt  }
0x6e: {  	_ =	shalt  }
0x6f: {  	_ =	shalt  }
0x70: {  	_ =	shalt  }
0x71: {  	_ =	shalt  }
0x72: {  	_ =	shalt  }
0x73: {  	_ =	shalt  }
0x74: {  	_ =	shalt  }
0x75: {  	_ =	shalt  }
0x76: {  	_ =	shalt  }
0x77: {  	_ =	shalt  }
0x78: {  	_ =	shalt  }
0x79: {  	_ =	shalt  }
0x7a: {  	_ =	shalt  }
0x7b: {  	_ =	shalt  }
0x7c: {  	_ =	shalt  }
0x7d: {  	_ =	shalt  }
0x7e: {  	_ =	shalt  }
0x7f: {  	_ =	shalt  }
0x80: {  	_ =	shalt  }
0x81: {  	_ =	shalt  }
0x82: {  	_ =	shalt  }
0x83: {  	_ =	shalt  }
0x84: {  	_ =	shalt  }
0x85: {  	_ =	shalt  }
0x86: {  	_ =	shalt  }
0x87: {  	_ =	shalt  }
.Lfunc_end0:
.L_simem_size_0:
called_computation_lowered:
.L_overlay_start_0:
0x88: {  	s2 =	sld [smem:$0x3FD9]  }
0x89: {  	s3 =	sld [smem:$0x3FFE];
	_ =	sdelay $0x1  }
0x8a: {  	s1 =	srdreg.scid  }
0x8b: {  	s0 =	sand.u32 $0x1, s1  }
0x8c: {  	s17 =	sshll.u32 s0, $0xA;
	s2 =	sadd.s32 s3, s2  }
0x8d: {  	s2 =	sadd.s32 s2, s17  }
0x8e: {  	[smem:$0x3FC6] =	sst s2  }
0x8f: {  	_ = 	snop  }
0x90: {  	s2 =	sld [smem:$0x3FC9]  }
0x91: {  	s18 =	sld [smem:$0x3FC8];
	(tm) =	ssettm $0x1  }
0x92: {  	s4 =	sld [smem:$0x3FFB];
	_ =	sdelay $0x3  }
0x93: {  	_ =	strace s4  }
0x94: {  	s4 =	sld [smem:$0x3FFC];
	_ =	sdelay $0x3  }
0x95: {  	_ =	strace s4  }
0x96: {  	s4 =	sld [smem:$0x3FFD];
	_ =	sdelay $0x3  }
0x97: {  	_ =	strace s4  }
0x98: {  	_ =	strace $0x8FFFFFFF  }
0x99: {  	s19 =	sld [smem:$0x3FDB];
	_ =	sdelay $0x1  }
0x9a: {  	s5 =	simm.s32 $_scs_section_size  }
0x9b: {  	s6 =	simm.s32 $_size__tile_overlayer_lowered;
	s7 =	simm.s32 $_tile_overlayer_lowered  }
0x9c: {  	s22 =	simm.s32 $0x1BFF;
	s21 =	sshll.u32 s7, $0x1;
	s4 =	sadd.s32 s5, s19  }
0x9d: {  	s8 =	simm.s32 $0x0;
	s20 =	sshll.u32 s6, $0x1;
	s6 =	sadd.s32 s21, s4  }
0x9e: {  	[timem:s8], [sflag:s22] =	dma.local [hbm:s6], s20  }
0x9f: {  	_ =	swait.ge [sflag:s22], s20  }
0xa0: {  	s5 =	ssub.s32 $0x0, s20;
	[sflag:s22] =	ssyncset.done $0x0  }
0xa1: {  	[sflag:s22] =	ssyncadd.s32 s5;
	_ =	sdelay $0x1  }
0xa2: {  	s23 =	simm.s32 $0x1B8B  }
0xa3: {  	_ =	swait.ge [sflag:s23], $0x1  }
0xa4: {  	[sflag:s23] =	ssyncset.done $0x0  }
0xa5: {  	s25 =	simm.s32 $0x1B8E;
	s24 =	sld [smem:$0x3FFE];
	[sflag:s23] =	ssyncadd.s32 $0xFFFFFFFF  }
0xa6: {  	s26 =	simm.s32 $execute0_lowered;
	[smem:$0x3FD2] =	sst s25  }
0xa7: {  	s6 =	sshll.u32 s26, $0x1;
	_ =	strace $0x80000046;
	[dreg:$0x1] =	wrdreg $0xFFFFFFFF  }
0xa8: {  	s28 =	simm.s32 $_size_execute0_lowered;
	s4 =	sadd.s32 s4, s6;
	[dreg:$0x0] =	wrdreg $0x0  }
0xa9: {  	s6 =	sshll.u32 s28, $0x1;
	[dreg:$0x2] =	wrdreg s4  }
0xaa: {  	[dreg:$0x3] =	wrdreg s6  }
0xab: {  	[dreg:$0x4] =	wrdreg $0xC0  }
0xac: {  	_ =	task [dreg:s8], $0x5FFFF  }
0xad: {  	[dreg:$0x1] =	wrdreg $0xFFFFFFFF  }
0xae: {  	[dreg:$0x0] =	wrdreg $0x60  }
0xaf: {  	[dreg:$0x2] =	wrdreg s2  }
0xb0: {  	[dreg:$0x3] =	wrdreg s18  }
0xb1: {  	[dreg:$0x4] =	wrdreg s24  }
0xb2: {  	[dreg:$0x5] =	wrdreg $0x9  }
0xb3: {  	_ =	task.clear_ibuf [dreg:s8], $0x6FFFF;
	_ =	strace $0x90000046  }
0xb4: {  	s29 =	simm.s32 $0x9;
	_ =	strace $0x80000048  }
0xb5: {  	_ =	swait.ge [sflag:s29], $0x1  }
0xb6: {  	[sflag:s29] =	ssyncadd.s32 $0xFFFFFFFF  }
0xb7: {  	_ =	strace $0x90000048  }
0xb8: {  	_ =	sfence  }
0xb9: {  	s30 =	sld [smem:$0x0];
	_ =	sdelay $0x2  }
0xba: {  	s31 =	sshll.u32 s1, $0xD;
	s1 =	sshrl.u32 s1, $0x2  }
0xbb: {  	s3 =	sand.u32 $0x4000, s31;
	s1 =	sadd.s32 s1, s30  }
0xbc: {  	s0 =	sor.u32 s3, s0;
	s1 =	sshll.u32 s1, $0x11  }
0xbd: {  	s0 =	sor.u32 s1, s0  }
0xbe: {  	s0 =	sadd.s32 $0x8F2B, s0  }
0xbf: {  	[sflag:s0] =	ssyncadd.remote.s32 $0x1  }
0xc0: {  	_ =	sfence.sel $0xFFFF  }
0xc1: {  	[dreg:$0x0] =	wrdreg $0xFFFFFFFF;
	(pc) =	sbr.abs _section_cstart, $3  }
0xc2: {  	[dreg:$0x1] =	wrdreg $0xFFFFFFFF  }
0xc3: {  	_ =	task.clear_ibuf [dreg:s8], $0x2FFFF;
	_ =	strace $0x9FFFFFFF  }
0xc4: {  	(tm) =	ssettm $0x7FFFFFFF  }
0xc5: {  	_ =	shalt  }
tec
execute0_lowered:
.L_overlay_start_1:
0x0: {  	(tag) =	ssettag $0x1  }
0x1: {  	v3 =	vimm.s32 $0xEFCDAB89;
	v4 =	vimm.s32 $0x67452301;
	v5 =	vimm.s32 $0xDCFE98BA  }
0x2: {  	s0 =	srdreg.scid;
	v8 =	vimm.s32 $0xBA98FEDC;
	v9 =	vimm.s32 $0x32107654;
	v10 =	vimm.s32 $0xFEDCBA98  }
0x3: {  	s4 =	rddreg [dreg:$0x0];
	s3 =	sand.u32 $0x1, s0;
	v3 =	vunpack.c.l.s4.s8 v3;
	v4 =	vunpack.c.l.s4.s8 v4;
	v5 =	vunpack.c.l.s4.s8 v5  }
0x4: {  	s5 =	rddreg [dreg:$0x1];
	v8 =	vunpack.c.l.s4.s8 v8;
	v9 =	vunpack.c.l.s4.s8 v9;
	v10 =	vunpack.c.l.s4.s8 v10;
	s0 =	sshll.u32 s3, $0x2;
	s29 =	sshllo.u32 s3, $0x2  }
0x5: {  	s6 =	rddreg [dreg:$0x2];
	v0 =	vmov s0;
	v6 =	vmov s29;
	v7 =	vunpack.c.0.s8.s32 v3  }
0x6: {  	s2 =	simm.s32 $0x0;
	s11 =	simm.s32 $0x800;
	s12 =	simm.s32 $0xC00;
	v4 =	vunpack.c.0.s8.s32 v4;
	v5 =	vunpack.c.0.s8.s32 v5;
	v3 =	vimm.s32 $0x54761032  }
0x7: {  	s13 =	simm.s32 $0x0;
	[smem:$0x7FF] =	sst s2;
	s1 =	sor.u32 $0x1, s0;
	v8 =	vunpack.c.0.s8.s32 v8;
	v9 =	vunpack.c.0.s8.s32 v9;
	v10 =	vunpack.c.0.s8.s32 v10  }
0x8: {  	s30 =	ssub.s32 $0x2, s3;
	s0 =	sor.u32 $0x2, s0;
	v0 =	vcvt.s32.f32 v0;
	v1 =	vmov s1;
	s1 =	stileid.u32;
	v3 =	vunpack.c.l.s4.s8 v3  }
0x9: {  	s3 =	sshll.u32 s3, $0x4;
	v2 =	vmov s0;
	v6 =	vcvt.s32.f32 v6;
	v1 =	vcvt.s32.f32 v1;
	s7 =	sshll.u32 s1, $0x7;
	s8 =	sshll.u32 s1, $0x4  }
0xa: {  	s10 =	sshrl.u32 s30, $0x1;
	s0 =	rddreg [dreg:$0x3];
	v2 =	vcvt.s32.f32 v2;
	s7 =	sor.u32 s8, s7;
	v11 =	vunpack.c.0.s8.s32 v3;
	v3 =	vimm.s32 $0x76543210  }
0xb: {  	_ =	strace $0x80000047;
	s31 =	sshll.u32 s1, $0x5;
	v4 =	vcombine.low v4, v7;
	v7 =	vimm.f32 $0.0e+00;
	s7 =	sand.u32 $0x470, s7;
	v12 =	vunpack.c.l.s4.s8 v3  }
0xc: {  	v63 =	vand.u32 $0xF, v10;
	v0 =	vbroadcast v0, $0x0;
	s8 =	ssub.s32 s30, s10;
	s10 =	simm.s32 $0x1;
	v3 =	vbroadcast v6, $0x0;
	s9 =	sadd.s32 s7, s6  }
0xd: {  	v6 =	vcombine.low v9, v8;
	s6 =	sadd.s32 s3, s6;
	s3 =	sadd.s32 s4, s7;
	s4 =	sadd.s32 s5, s7;
	v5 =	vcombine.low v11, v5;
	v11 =	vunpack.c.0.s8.s32 v12  }
0xe: {  	v1 =	vbroadcast v1, $0x0;
	v2 =	vbroadcast v2, $0x0;
	v8 =	vand.u32 $0xF, v4;
	s7 =	smax.u32 s8, $0x1;
	s8 =	simm.s32 $0x80;
	s6 =	sadd.s32 s31, s6  }
0xf: {  	s5 =	sadd.s32 $0x200, s9;
	s9 =	simm.s32 $0x400;
	v10 =	vand.u32 $0xF, v6;
	s6 =	sadd.s32 $0xA00, s6;
	v9 =	vand.u32 $0xF, v5;
	v11 =	vcombine.low v63, v11  }
.LBB2_1:
0x10: {  	[tilespmem:s2], [sflag:$0x1] =	stream.strided.gather [hbm4b:s3+s8], $0x400, s9, s8, $0x38;
	[tilespmem:$0xC80] =	vst v63  }
0x11: {  	_ =	swait.ge [sflag:s10], $0x400  }
0x12: {  	[sflag:s10] =	ssyncset.done $0x0  }
0x13: {  	[sflag:s10] =	ssyncadd.s32 $0xFFFFFC00  }
0x14: {  	[tilespmem:s9], [sflag:$0x1] =	stream.strided.gather [hbm4b:s4+s8], $0x400, s9, s8, $0x38;
	[tilespmem:$0xC80] =	vst v63  }
0x15: {  	_ =	swait.ge [sflag:s10], $0x400  }
0x16: {  	[sflag:s10] =	ssyncset.done $0x0  }
0x17: {  	[sflag:s10] =	ssyncadd.s32 $0xFFFFFC00  }
0x18: {  	[tilespmem:s11], [sflag:$0x1] =	stream.strided.gather [hbm4b:s5+s8], $0x400, s9, s8, $0x38;
	[tilespmem:$0xC80] =	vst v63  }
0x19: {  	_ =	swait.ge [sflag:s10], $0x400  }
0x1a: {  	[sflag:s10] =	ssyncset.done $0x0  }
0x1b: {  	s15 =	simm.s32 $0x0;
	[sflag:s10] =	ssyncadd.s32 $0xFFFFFC00  }
0x1c: {  	v15 =	vld [tilespmem:s15+$0x400]  }
0x1d: {  	v16 =	vld [tilespmem:s15+$0x0]  }
0x1e: {  	v12 =	vimm.f32 $-1.000000000e+00;
	s14 =	simm.s32 $0x40;
	v13 =	vimm.f32 $0.0e+00;
	v14 =	vimm.f32 $0.0e+00;
	v17 =	vld [tilespmem:s15+$0x800]  }
.LBB2_2:
0x1f: {  	p0 =	sne.s32 s14, $0xFC0  }
.Ltmp0:
0x20: {  	_ = 	snop;
	(pc) =	sbr.rel @p0 .LBB2_2-.Ltmp0, $4  }
0x21: {  	s15 =	sshra.s32 s14, $0x2  }
0x22: {  	vm0 =	veq.f32 v15, v0;
	v15 =	vld [tilespmem:s15+$0x400]  }
0x23: {  	v18 =	vnsel vm0, $0x0, v16;
	v19 =	vsel vm0, $0x3F800000, v7;
	v16 =	vld [tilespmem:s15+$0x0];
	v20 =	vnsel vm0, $0xBF800000, v17  }
0x24: {  	s14 =	sadd.s32 $0x40, s14;
	v17 =	vld [tilespmem:s15+$0x800];
	v13 =	vadd.f32 v18, v13;
	v14 =	vadd.f32 v19, v14;
	v12 =	vmax.f32 v12, v20  }
0x25: {  	_ =	sdelay $0x2  }
0x26: {  	vm0 =	veq.f32 v15, v0  }
0x27: {  	v15 =	vnsel vm0, $0x0, v16;
	v16 =	vsel vm0, $0x3F800000, v7;
	v17 =	vnsel vm0, $0xBF800000, v17  }
0x28: {  	v13 =	vadd.f32 v15, v13;
	v14 =	vadd.f32 v16, v14;
	v12 =	vmax.f32 v12, v17  }
0x29: {  	v15 =	vperm.xlane v12, v8  }
0x2a: {  	v16 =	vperm.xlane v13, v8;
	v17 =	vperm.xlane v14, v8;
	_ =	sdelay $0x1  }
0x2b: {  	v12 =	vmax.f32 v12, v15;
	v13 =	vadd.f32 v16, v13;
	v14 =	vadd.f32 v17, v14  }
0x2c: {  	v15 =	vperm.xlane v12, v9  }
0x2d: {  	v16 =	vperm.xlane v13, v9;
	v17 =	vperm.xlane v14, v9  }
0x2e: {  	v12 =	vmax.f32 v12, v15  }
0x2f: {  	v13 =	vadd.f32 v16, v13;
	v14 =	vadd.f32 v17, v14;
	v15 =	vperm.xlane v12, v10;
	_ =	sdelay $0x1  }
0x30: {  	v15 =	vmax.f32 v12, v15;
	v12 =	vperm.xlane v13, v10;
	v16 =	vperm.xlane v14, v10  }
0x31: {  	s15 =	simm.s32 $0x0;
	v18 =	vperm.xlane v15, v11  }
0x32: {  	v19 =	vld [tilespmem:s15+$0x800];
	v12 =	vadd.f32 v12, v13;
	v13 =	vadd.f32 v16, v14  }
0x33: {  	v17 =	vld [tilespmem:s15+$0x400];
	v16 =	vmax.f32 v15, v18  }
0x34: {  	s14 =	simm.s32 $0x40;
	v20 =	vld [tilespmem:s15+$0x0];
	v18 =	vimm.f32 $+Inf;
	v14 =	vperm.xlane v12, v11;
	v15 =	vperm.xlane v13, v11  }
.LBB2_4:
0x35: {  	p0 =	sne.s32 s14, $0xFC0  }
.Ltmp1:
0x36: {  	_ = 	snop;
	(pc) =	sbr.rel @p0 .LBB2_4-.Ltmp1, $4  }
0x37: {  	s15 =	sshra.s32 s14, $0x2  }
0x38: {  	vm0 =	veq.f32 v17, v0;
	v17 =	vld [tilespmem:s15+$0x400];
	vm1 =	veq.f32 v19, v16  }
0x39: {  	v19 =	vld [tilespmem:s15+$0x800];
	v21 =	vmin.f32 v18, v20;
	vm0 =	vmand vm0, vm1  }
0x3a: {  	s14 =	sadd.s32 $0x40, s14;
	v20 =	vld [tilespmem:s15+$0x0];
	v18 =	vsel vm0, v21, v18  }
0x3b: {  	_ =	sdelay $0x2  }
0x3c: {  	vm0 =	veq.f32 v17, v0;
	vm1 =	veq.f32 v19, v16  }
0x3d: {  	vm0 =	vmand vm0, vm1;
	v16 =	vmin.f32 v18, v20  }
0x3e: {  	v16 =	vsel vm0, v16, v18  }
0x3f: {  	v17 =	vperm.xlane v16, v4;
	_ =	sdelay $0x1  }
0x40: {  	v16 =	vmin.f32 v16, v17  }
0x41: {  	v17 =	vperm.xlane v16, v5;
	_ =	sdelay $0x1  }
0x42: {  	v16 =	vmin.f32 v16, v17  }
0x43: {  	s15 =	simm.s32 $0x0;
	v17 =	vperm.xlane v16, v6  }
0x44: {  	v22 =	vld [tilespmem:s15+$0x0]  }
0x45: {  	v21 =	vimm.f32 $0.0e+00;
	v20 =	vld [tilespmem:s15+$0x400];
	v16 =	vmin.f32 v16, v17  }
0x46: {  	s14 =	simm.s32 $0x40;
	v23 =	vld [tilespmem:s15+$0x800];
	v19 =	vimm.f32 $0.0e+00;
	v18 =	vimm.f32 $-1.000000000e+00;
	v17 =	vperm.xlane v16, v11  }
.LBB2_6:
0x47: {  	p0 =	sne.s32 s14, $0xFC0  }
.Ltmp2:
0x48: {  	_ = 	snop;
	(pc) =	sbr.rel @p0 .LBB2_6-.Ltmp2, $4  }
0x49: {  	s15 =	sshra.s32 s14, $0x2  }
0x4a: {  	vm0 =	veq.f32 v20, v1;
	v20 =	vld [tilespmem:s15+$0x400]  }
0x4b: {  	v24 =	vnsel vm0, $0x0, v22;
	v25 =	vsel vm0, $0x3F800000, v7;
	v22 =	vld [tilespmem:s15+$0x0];
	v26 =	vnsel vm0, $0xBF800000, v23  }
0x4c: {  	s14 =	sadd.s32 $0x40, s14;
	v23 =	vld [tilespmem:s15+$0x800];
	v19 =	vadd.f32 v24, v19;
	v21 =	vadd.f32 v25, v21;
	v18 =	vmax.f32 v18, v26  }
0x4d: {  	_ =	sdelay $0x2  }
0x4e: {  	vm0 =	veq.f32 v20, v1  }
0x4f: {  	v20 =	vnsel vm0, $0x0, v22;
	v22 =	vsel vm0, $0x3F800000, v7;
	v23 =	vnsel vm0, $0xBF800000, v23  }
0x50: {  	v19 =	vadd.f32 v20, v19;
	v20 =	vadd.f32 v22, v21;
	v18 =	vmax.f32 v18, v23  }
0x51: {  	v21 =	vperm.xlane v18, v8  }
0x52: {  	v22 =	vperm.xlane v19, v8;
	v23 =	vperm.xlane v20, v8;
	_ =	sdelay $0x1  }
0x53: {  	v18 =	vmax.f32 v18, v21;
	v19 =	vadd.f32 v22, v19;
	v20 =	vadd.f32 v23, v20  }
0x54: {  	v21 =	vperm.xlane v18, v9  }
0x55: {  	v22 =	vperm.xlane v19, v9;
	v23 =	vperm.xlane v20, v9  }
0x56: {  	v18 =	vmax.f32 v18, v21  }
0x57: {  	v19 =	vadd.f32 v22, v19;
	v20 =	vadd.f32 v23, v20;
	v21 =	vperm.xlane v18, v10;
	_ =	sdelay $0x1  }
0x58: {  	v21 =	vmax.f32 v18, v21;
	v18 =	vperm.xlane v19, v10;
	v22 =	vperm.xlane v20, v10  }
0x59: {  	s15 =	simm.s32 $0x0;
	v24 =	vperm.xlane v21, v11  }
0x5a: {  	v25 =	vld [tilespmem:s15+$0x800];
	v18 =	vadd.f32 v18, v19;
	v20 =	vadd.f32 v22, v20  }
0x5b: {  	v23 =	vld [tilespmem:s15+$0x400];
	v22 =	vmax.f32 v21, v24  }
0x5c: {  	s14 =	simm.s32 $0x40;
	v26 =	vld [tilespmem:s15+$0x0];
	v24 =	vimm.f32 $+Inf;
	v19 =	vperm.xlane v18, v11;
	v21 =	vperm.xlane v20, v11  }
.LBB2_8:
0x5d: {  	p0 =	sne.s32 s14, $0xFC0  }
.Ltmp3:
0x5e: {  	_ = 	snop;
	(pc) =	sbr.rel @p0 .LBB2_8-.Ltmp3, $4  }
0x5f: {  	s15 =	sshra.s32 s14, $0x2  }
0x60: {  	vm0 =	veq.f32 v23, v1;
	v23 =	vld [tilespmem:s15+$0x400];
	vm1 =	veq.f32 v25, v22  }
0x61: {  	v25 =	vld [tilespmem:s15+$0x800];
	v27 =	vmin.f32 v24, v26;
	vm0 =	vmand vm0, vm1  }
0x62: {  	s14 =	sadd.s32 $0x40, s14;
	v26 =	vld [tilespmem:s15+$0x0];
	v24 =	vsel vm0, v27, v24  }
0x63: {  	_ =	sdelay $0x2  }
0x64: {  	vm0 =	veq.f32 v23, v1;
	vm1 =	veq.f32 v25, v22  }
0x65: {  	vm0 =	vmand vm0, vm1;
	v22 =	vmin.f32 v24, v26  }
0x66: {  	v22 =	vsel vm0, v22, v24  }
0x67: {  	v23 =	vperm.xlane v22, v4;
	_ =	sdelay $0x1  }
0x68: {  	v22 =	vmin.f32 v22, v23  }
0x69: {  	v23 =	vperm.xlane v22, v5;
	_ =	sdelay $0x1  }
0x6a: {  	v22 =	vmin.f32 v22, v23  }
0x6b: {  	s15 =	simm.s32 $0x0;
	v23 =	vperm.xlane v22, v6  }
0x6c: {  	v28 =	vld [tilespmem:s15+$0x0]  }
0x6d: {  	v27 =	vimm.f32 $0.0e+00;
	v26 =	vld [tilespmem:s15+$0x400];
	v22 =	vmin.f32 v22, v23  }
0x6e: {  	s14 =	simm.s32 $0x40;
	v29 =	vld [tilespmem:s15+$0x800];
	v25 =	vimm.f32 $0.0e+00;
	v24 =	vimm.f32 $-1.000000000e+00;
	v23 =	vperm.xlane v22, v11  }
.LBB2_10:
0x6f: {  	p0 =	sne.s32 s14, $0xFC0  }
.Ltmp4:
0x70: {  	_ = 	snop;
	(pc) =	sbr.rel @p0 .LBB2_10-.Ltmp4, $4  }
0x71: {  	s15 =	sshra.s32 s14, $0x2  }
0x72: {  	vm0 =	veq.f32 v26, v2;
	v26 =	vld [tilespmem:s15+$0x400]  }
0x73: {  	v30 =	vnsel vm0, $0x0, v28;
	v31 =	vsel vm0, $0x3F800000, v7;
	v28 =	vld [tilespmem:s15+$0x0];
	v32 =	vnsel vm0, $0xBF800000, v29  }
0x74: {  	s14 =	sadd.s32 $0x40, s14;
	v29 =	vld [tilespmem:s15+$0x800];
	v25 =	vadd.f32 v30, v25;
	v27 =	vadd.f32 v31, v27;
	v24 =	vmax.f32 v24, v32  }
0x75: {  	_ =	sdelay $0x2  }
0x76: {  	vm0 =	veq.f32 v26, v2  }
0x77: {  	v26 =	vnsel vm0, $0x0, v28;
	v28 =	vsel vm0, $0x3F800000, v7;
	v29 =	vnsel vm0, $0xBF800000, v29  }
0x78: {  	v25 =	vadd.f32 v26, v25;
	v26 =	vadd.f32 v28, v27;
	v24 =	vmax.f32 v24, v29  }
0x79: {  	v27 =	vperm.xlane v24, v8  }
0x7a: {  	v28 =	vperm.xlane v25, v8;
	v29 =	vperm.xlane v26, v8;
	_ =	sdelay $0x1  }
0x7b: {  	v24 =	vmax.f32 v24, v27;
	v25 =	vadd.f32 v28, v25;
	v26 =	vadd.f32 v29, v26  }
0x7c: {  	v27 =	vperm.xlane v24, v9  }
0x7d: {  	v28 =	vperm.xlane v25, v9;
	v29 =	vperm.xlane v26, v9  }
0x7e: {  	v24 =	vmax.f32 v24, v27  }
0x7f: {  	v25 =	vadd.f32 v28, v25;
	v26 =	vadd.f32 v29, v26;
	v27 =	vperm.xlane v24, v10;
	_ =	sdelay $0x1  }
0x80: {  	v27 =	vmax.f32 v24, v27;
	v24 =	vperm.xlane v25, v10;
	v28 =	vperm.xlane v26, v10  }
0x81: {  	s15 =	simm.s32 $0x0;
	v30 =	vperm.xlane v27, v11  }
0x82: {  	v31 =	vld [tilespmem:s15+$0x800];
	v24 =	vadd.f32 v24, v25;
	v26 =	vadd.f32 v28, v26  }
0x83: {  	v29 =	vld [tilespmem:s15+$0x400];
	v28 =	vmax.f32 v27, v30  }
0x84: {  	s14 =	simm.s32 $0x40;
	v32 =	vld [tilespmem:s15+$0x0];
	v30 =	vimm.f32 $+Inf;
	v25 =	vperm.xlane v24, v11;
	v27 =	vperm.xlane v26, v11  }
.LBB2_12:
0x85: {  	p0 =	sne.s32 s14, $0xFC0  }
.Ltmp5:
0x86: {  	_ = 	snop;
	(pc) =	sbr.rel @p0 .LBB2_12-.Ltmp5, $4  }
0x87: {  	s15 =	sshra.s32 s14, $0x2  }
0x88: {  	vm0 =	veq.f32 v29, v2;
	v29 =	vld [tilespmem:s15+$0x400];
	vm1 =	veq.f32 v31, v28  }
0x89: {  	v31 =	vld [tilespmem:s15+$0x800];
	v33 =	vmin.f32 v30, v32;
	vm0 =	vmand vm0, vm1  }
0x8a: {  	s14 =	sadd.s32 $0x40, s14;
	v32 =	vld [tilespmem:s15+$0x0];
	v30 =	vsel vm0, v33, v30  }
0x8b: {  	_ =	sdelay $0x2  }
0x8c: {  	vm0 =	veq.f32 v29, v2;
	vm1 =	veq.f32 v31, v28  }
0x8d: {  	vm0 =	vmand vm0, vm1;
	v28 =	vmin.f32 v30, v32  }
0x8e: {  	v28 =	vsel vm0, v28, v30  }
0x8f: {  	v29 =	vperm.xlane v28, v4;
	_ =	sdelay $0x1  }
0x90: {  	v28 =	vmin.f32 v28, v29  }
0x91: {  	v29 =	vperm.xlane v28, v5;
	_ =	sdelay $0x1  }
0x92: {  	v28 =	vmin.f32 v28, v29  }
0x93: {  	s15 =	simm.s32 $0x0;
	v29 =	vperm.xlane v28, v6  }
0x94: {  	v34 =	vld [tilespmem:s15+$0x0]  }
0x95: {  	v33 =	vimm.f32 $0.0e+00;
	v32 =	vld [tilespmem:s15+$0x400];
	v28 =	vmin.f32 v28, v29  }
0x96: {  	s14 =	simm.s32 $0x40;
	v35 =	vld [tilespmem:s15+$0x800];
	v31 =	vimm.f32 $0.0e+00;
	v30 =	vimm.f32 $-1.000000000e+00;
	v29 =	vperm.xlane v28, v11  }
.LBB2_14:
0x97: {  	p0 =	sne.s32 s14, $0xFC0  }
.Ltmp6:
0x98: {  	_ = 	snop;
	(pc) =	sbr.rel @p0 .LBB2_14-.Ltmp6, $4  }
0x99: {  	s15 =	sshra.s32 s14, $0x2  }
0x9a: {  	vm0 =	veq.f32 v32, v3;
	v32 =	vld [tilespmem:s15+$0x400]  }
0x9b: {  	v36 =	vnsel vm0, $0x0, v34;
	v37 =	vsel vm0, $0x3F800000, v7;
	v34 =	vld [tilespmem:s15+$0x0];
	v38 =	vnsel vm0, $0xBF800000, v35  }
0x9c: {  	s14 =	sadd.s32 $0x40, s14;
	v35 =	vld [tilespmem:s15+$0x800];
	v31 =	vadd.f32 v36, v31;
	v33 =	vadd.f32 v37, v33;
	v30 =	vmax.f32 v30, v38  }
0x9d: {  	_ =	sdelay $0x2  }
0x9e: {  	vm0 =	veq.f32 v32, v3  }
0x9f: {  	v32 =	vnsel vm0, $0x0, v34;
	v58 =	vsel vm0, $0x3F800000, v7;
	v35 =	vnsel vm0, $0xBF800000, v35  }
0xa0: {  	v31 =	vadd.f32 v32, v31;
	v59 =	vadd.f32 v58, v33;
	v30 =	vmax.f32 v30, v35  }
0xa1: {  	v60 =	vperm.xlane v30, v8  }
0xa2: {  	v61 =	vperm.xlane v31, v8;
	v62 =	vperm.xlane v59, v8;
	_ =	sdelay $0x1  }
0xa3: {  	v30 =	vmax.f32 v30, v60;
	v31 =	vadd.f32 v61, v31;
	v32 =	vadd.f32 v62, v59  }
0xa4: {  	v33 =	vperm.xlane v30, v9  }
0xa5: {  	v34 =	vperm.xlane v31, v9;
	v35 =	vperm.xlane v32, v9  }
0xa6: {  	v30 =	vmax.f32 v30, v33  }
0xa7: {  	v31 =	vadd.f32 v34, v31;
	v32 =	vadd.f32 v35, v32;
	v33 =	vperm.xlane v30, v10;
	_ =	sdelay $0x1  }
0xa8: {  	v33 =	vmax.f32 v30, v33;
	v30 =	vperm.xlane v31, v10;
	v63 =	vperm.xlane v32, v10  }
0xa9: {  	s15 =	simm.s32 $0x0;
	v36 =	vperm.xlane v33, v11  }
0xaa: {  	v37 =	vld [tilespmem:s15+$0x800];
	v30 =	vadd.f32 v30, v31;
	v32 =	vadd.f32 v63, v32  }
0xab: {  	v35 =	vld [tilespmem:s15+$0x400];
	v34 =	vmax.f32 v33, v36  }
0xac: {  	s14 =	simm.s32 $0x40;
	v38 =	vld [tilespmem:s15+$0x0];
	v36 =	vimm.f32 $+Inf;
	v31 =	vperm.xlane v30, v11;
	v33 =	vperm.xlane v32, v11  }
.LBB2_16:
0xad: {  	p0 =	sne.s32 s14, $0xFC0  }
.Ltmp7:
0xae: {  	_ = 	snop;
	(pc) =	sbr.rel @p0 .LBB2_16-.Ltmp7, $4  }
0xaf: {  	s15 =	sshra.s32 s14, $0x2  }
0xb0: {  	vm0 =	veq.f32 v35, v3;
	v35 =	vld [tilespmem:s15+$0x400];
	vm1 =	veq.f32 v37, v34  }
0xb1: {  	v37 =	vld [tilespmem:s15+$0x800];
	v39 =	vmin.f32 v36, v38;
	vm0 =	vmand vm0, vm1  }
0xb2: {  	s14 =	sadd.s32 $0x40, s14;
	v38 =	vld [tilespmem:s15+$0x0];
	v36 =	vsel vm0, v39, v36  }
0xb3: {  	_ =	sdelay $0x2  }
0xb4: {  	vm0 =	veq.f32 v35, v3;
	vm1 =	veq.f32 v37, v34  }
0xb5: {  	vm0 =	vmand vm0, vm1;
	v46 =	vmin.f32 v36, v38  }
0xb6: {  	v34 =	vsel vm0, v46, v36  }
0xb7: {  	v47 =	vperm.xlane v34, v4;
	_ =	sdelay $0x1  }
0xb8: {  	v49 =	vmin.f32 v34, v47  }
0xb9: {  	v13 =	vadd.f32 v15, v13;
	v51 =	vperm.xlane v49, v5  }
0xba: {  	v48 =	vmin.f32 v16, v17;
	v12 =	vadd.f32 v14, v12;
	v52 =	vadd.f32 v21, v20  }
0xbb: {  	v53 =	vmin.f32 v22, v23;
	v54 =	vadd.f32 v19, v18;
	v15 =	vmin.f32 v49, v51  }
0xbc: {  	v55 =	vadd.f32 v27, v26;
	v50 =	vmul.f32 v48, v13;
	v16 =	vperm.xlane v15, v6  }
0xbd: {  	v56 =	vmin.f32 v28, v29;
	vm12 =	vgt.f32 v13, $0.0e+00;
	v13 =	vmul.f32 v53, v52  }
0xbe: {  	v58 =	vadd.f32 v25, v24;
	v12 =	vsub.f32 v12, v50;
	v15 =	vmin.f32 v15, v16  }
0xbf: {  	v59 =	vadd.f32 v33, v32;
	v13 =	vsub.f32 v54, v13;
	v57 =	vperm.xlane v15, v11  }
0xc0: {  	vm13 =	vgt.f32 v52, $0.0e+00;
	v12 =	vadd.f32 $0.0e+00, v12;
	v16 =	vmul.f32 v56, v55  }
0xc1: {  	v60 =	vadd.f32 v31, v30;
	v13 =	vnsel vm13, $0x0, v13;
	v15 =	vmin.f32 v15, v57  }
0xc2: {  	v12 =	vnsel vm12, $0x0, v12;
	v16 =	vsub.f32 v58, v16;
	v15 =	vmul.f32 v15, v59  }
0xc3: {  	vm14 =	vgt.f32 v55, $0.0e+00;
	v12 =	vadd.f32 v13, v12  }
0xc4: {  	v61 =	vnsel vm14, $0x0, v16;
	v62 =	vsub.f32 v60, v15  }
0xc5: {  	vm15 =	vgt.f32 v59, $0.0e+00;
	v12 =	vadd.f32 v61, v12  }
0xc6: {  	v63 =	vnsel vm15, $0x0, v62  }
0xc7: {  	s13 =	sadd.s32 $0x1, s13;
	v12 =	vadd.f32 v63, v12  }
0xc8: {  	p0 =	sne.s32 s13, s7  }
.Ltmp8:
0xc9: {  	[tilespmem:$0xC00] =	vst v12;
	(pc) =	sbr.rel @p0 .LBB2_1-.Ltmp8, $4  }
0xca: {  	[hbm4b:s6+s2] =	stream.linear.scatter [tilespmem:s12], [sflag:$0x1], $0x80, $0x38;
	[tilespmem:$0xC80] =	vst v63  }
0xcb: {  	_ =	swait.ge [sflag:s10], $0x80  }
0xcc: {  	[sflag:s10] =	ssyncset.done $0x0  }
0xcd: {  	[sflag:s10] =	ssyncadd.s32 $0xFFFFFF80  }
0xce: {  	_ =	sfence.sel $0x180000  }
0xcf: {  	[bflag:$0x0] =	sbarrier.arrive $0xFFFF  }
0xd0: {  	p0 =	sne.s32 s1, $0x0;
	_ =	strace $0x90000047  }
0xd1: {  	s0 =	sadd.s32 @!p0 $0x100000, s0;
	[bflag:$0x2] =	sbarrier.arrive $0xFFFF  }
0xd2: {  	[sflag:s0] =	ssyncadd.tile.s32 @!p0 $0x1;
	_ =	shalt  }
.Lfunc_end2:
_tile_overlayer_lowered:
.L_overlay_start_2:
0xd3: {  	(tag) =	ssettag $0x2  }
0xd4: {  	s0 =	rddreg [dreg:$0x0];
	s2 =	stileid.u32  }
0xd5: {  	s1 =	rddreg [dreg:$0x1];
	p0 =	sne.s32 s2, $0x0  }
0xd6: {  	s3 =	rddreg [dreg:$0x2];
	[bflag:$0x3] =	sbarrier.arrive $0xFFFF;
	s2 =	simm.s32 @!p0 $0x1C01  }
0xd7: {  	[timem:s3], [sflag:s2] =	dma.local @!p0 [hbm:s0], s1  }
0xd8: {  	s0 =	simm.s32 @!p0 $0x1  }
0xd9: {  	_ =	swait.ge @!p0 [sflag:s0], s1  }
0xda: {  	s1 =	ssub.s32 @!p0 $0x0, s1;
	[sflag:s0] =	ssyncset.done @!p0 $0x0  }
0xdb: {  	[sflag:s0] =	ssyncadd.s32 @!p0 s1  }
0xdc: {  	[bflag:$0x3] =	sbarrier.arrive $0xFFFF  }
0xdd: {  	_ =	shalt  }

</sc_bundles>
